<compile_context>
chip_gen: v7x
topology: tpu7x:2x2x1
jax: 0.10.2.dev20260603
libtpu: 0.0.44.dev20260713+nightly
codegen_flags: <defaults>
</compile_context>

<pallas_src>
import functools

import jax
import jax.numpy as jnp
from jax import lax
from jax.experimental import pallas as pl
from jax.experimental.pallas import tpu as pltpu
from jax.experimental.pallas import tpu_sc as plsc

GROUPS = 4
V = 1024
B = 1024
D = 256
EG = 8
SR = 16
NSL = D // SR
NC = 2
NS = 16
L = 16
NW = NC * NS
BPW = B // NW
NDMA = (BPW // EG) * NSL

_mesh = plsc.VectorSubcoreMesh(core_axis_name="c", subcore_axis_name="s")


@functools.partial(
    pl.kernel,
    mesh=_mesh,
    out_type=(
        jax.ShapeDtypeStruct((B, D, D), jnp.float32),
        jax.ShapeDtypeStruct((B, D), jnp.float32),
    ),
    scratch_types=[
        pltpu.VMEM((L,), jnp.int32),
        pltpu.VMEM((L,), jnp.int32),
        pltpu.VMEM((1, B), jnp.int32),
        pltpu.VMEM((BPW, D), jnp.float32),
        pltpu.VMEM((EG, SR, D), jnp.float32),
        pltpu.VMEM((EG, SR, D), jnp.float32),
        pltpu.VMEM((EG, SR, D), jnp.float32),
        pltpu.SemaphoreType.DMA,
        pltpu.SemaphoreType.DMA,
        pltpu.SemaphoreType.DMA,
        pltpu.SemaphoreType.DMA,
        pltpu.SemaphoreType.DMA,
        pltpu.SemaphoreType.DMA,
        pltpu.SemaphoreType.DMA,
    ],
)
def _sc_lookup(zeros16, ld, selT, wtab, btab, outw, outb,
               z_v, g_v, widx_v, bbuf, wbuf0, wbuf1, wbuf2,
               usem, gs0, gs1, gs2, ps0, ps1, ps2):
    wid = lax.axis_index("s") * NC + lax.axis_index("c")
    base = pl.multiple_of(wid * BPW, BPW)

    pltpu.sync_copy(zeros16, z_v)
    pltpu.async_copy(ld.at[z_v], g_v, usem).wait()
    pltpu.async_copy(selT.at[g_v.at[pl.ds(0, 1)]], widx_v, usem).wait()

    b_gather = pltpu.make_async_copy(
        btab.at[widx_v.at[0, pl.ds(base, BPW)]], bbuf, usem)
    b_gather.start()

    bufs = (wbuf0, wbuf1, wbuf2)
    gsems = (gs0, gs1, gs2)
    psems = (ps0, ps1, ps2)

    def g_desc(d, b):
        o = pl.multiple_of((d // NSL) * EG, EG)
        c = pl.multiple_of((d % NSL) * SR, SR)
        return pltpu.make_async_copy(
            wtab.at[widx_v.at[0, pl.ds(base + o, EG)], pl.ds(c, SR)],
            bufs[b], gsems[b])

    def p_desc(d, b):
        o = pl.multiple_of((d // NSL) * EG, EG)
        c = pl.multiple_of((d % NSL) * SR, SR)
        return pltpu.make_async_copy(
            bufs[b], outw.at[pl.ds(base + o, EG), pl.ds(c, SR)], psems[b])

    g_desc(0, 0).start()
    g_desc(1, 1).start()

    def step(i, carry):
        for k in range(3):
            d = i * 3 + k
            g_desc(d, k).wait()
            p_desc(d, k).start()
            dn = d + 2
            bn = (k + 2) % 3

            @pl.when(dn < NDMA)
            def _():
                @pl.when(d >= 1)
                def _():
                    p_desc(d - 1, bn).wait()

                g_desc(dn, bn).start()
        return carry

    lax.fori_loop(0, (NDMA - 1) // 3, step, 0)
    g_desc(NDMA - 1, 0).wait()
    p_desc(NDMA - 1, 0).start()
    b_gather.wait()
    pltpu.sync_copy(bbuf, outb.at[pl.ds(base, BPW)])
    p_desc(NDMA - 3, 1).wait()
    p_desc(NDMA - 2, 2).wait()
    p_desc(NDMA - 1, 0).wait()


def kernel(layer_index, selector, W0, b0, layers_distribution):
    ld = lax.dynamic_slice_in_dim(layers_distribution, layer_index, 1)
    selT = selector.T
    zeros16 = jnp.zeros((L,), jnp.int32)
    outw, outb = _sc_lookup(zeros16, ld, selT, W0, b0)
    return (outw, outb)

# --- scband reference (transcript-rebuilt; emitter-appended) ---
"""Pipeline reference for scband-weights-storage-68667937128845 (READ-ONLY COPY).

The authoritative reference and input builder live on the scoring server;
editing this copy changes nothing except your own understanding.
"""

import jax, jax.numpy as jnp
import numpy as np

GROUPS_COUNT = 4
STORAGE_SIZE = 1024
BATCH = 1024
D = 256


def setup_inputs(seed=0) -> dict:
    key = jax.random.key(seed)
    k1, k2, k3 = jax.random.split(key, 3)
    # selector: [batch_size, groups_count], values in [0, storage_size)
    selector = jax.random.randint(k1, (BATCH, GROUPS_COUNT), 0, STORAGE_SIZE, dtype=jnp.int32)
    # Learned storage for the single registered layer (shapes [(D,D),(D,)]),
    # each prefixed with storage_size dim, xavier-normal-like init.
    std_w = float(np.sqrt(2.0 / (D + D)))
    W0 = jax.random.normal(k2, (STORAGE_SIZE, D, D), dtype=jnp.float32) * std_w
    b0 = jax.random.normal(k3, (STORAGE_SIZE, D), dtype=jnp.float32) * std_w
    # Single layer -> assigned to group 0 by the distribution algorithm.
    layers_distribution = jnp.array([0], dtype=jnp.int32)
    return {"layer_index": 0, "selector": selector, "W0": W0, "b0": b0, "layers_distribution": layers_distribution}


def reference(layer_index, selector, W0, b0, layers_distribution):
    # group_index = self._layers_distribution[layer_index]
    group_index = layers_distribution[layer_index]
    # weights_index = squeeze(index_select(selector, -1, group_index)) -> [batch]
    weights_index = jnp.squeeze(jnp.take(selector, jnp.reshape(group_index, (1,)), axis=-1), axis=-1)
    # [index_select(weights, 0, weights_index) for weights in layer_weights]
    out_w = jnp.take(W0, weights_index, axis=0)  # [batch, D, D]
    out_b = jnp.take(b0, weights_index, axis=0)  # [batch, D]
    return (out_w, out_b)

if __name__ == "__main__":
    import jax
    _d = setup_inputs()
    print(jax.jit(kernel)(*tuple(_d.values())))

</pallas_src>

<mosaic_0001>
#map = affine_map<(d0, d1) -> (0)>
#map1 = affine_map<(d0, d1) -> (0, 0)>
#map2 = affine_map<(d0, d1) -> (0, 0, 0)>
module attributes {stable_mosaic.version = 14 : i64} {
  func.func @_sc_lookup(%arg0: i32, %arg1: i32, %arg2: memref<16xi32, #tpu.memory_space<hbm>>, %arg3: memref<1xi32, #tpu.memory_space<hbm>>, %arg4: memref<4x1024xi32, #tpu.memory_space<hbm>>, %arg5: memref<1024x256x256xf32, #tpu.memory_space<hbm>>, %arg6: memref<1024x256xf32, #tpu.memory_space<hbm>>, %arg7: memref<1024x256x256xf32, #tpu.memory_space<hbm>>, %arg8: memref<1024x256xf32, #tpu.memory_space<hbm>>, %arg9: memref<16xi32, #tpu.memory_space<vmem>>, %arg10: memref<16xi32, #tpu.memory_space<vmem>>, %arg11: memref<1x1024xi32, #tpu.memory_space<vmem>>, %arg12: memref<32x256xf32, #tpu.memory_space<vmem>>, %arg13: memref<8x16x256xf32, #tpu.memory_space<vmem>>, %arg14: memref<8x16x256xf32, #tpu.memory_space<vmem>>, %arg15: memref<8x16x256xf32, #tpu.memory_space<vmem>>, %arg16: memref<!tpu.dma_semaphore, #tpu.memory_space<semaphore_mem>>, %arg17: memref<!tpu.dma_semaphore, #tpu.memory_space<semaphore_mem>>, %arg18: memref<!tpu.dma_semaphore, #tpu.memory_space<semaphore_mem>>, %arg19: memref<!tpu.dma_semaphore, #tpu.memory_space<semaphore_mem>>, %arg20: memref<!tpu.dma_semaphore, #tpu.memory_space<semaphore_mem>>, %arg21: memref<!tpu.dma_semaphore, #tpu.memory_space<semaphore_mem>>, %arg22: memref<!tpu.dma_semaphore, #tpu.memory_space<semaphore_mem>>) attributes {dimension_semantics = [#tpu.dimension_semantics<core_parallel>, #tpu.dimension_semantics<subcore_parallel>], iteration_bounds = array<i64: 2, 16>, scalar_prefetch = 0 : i64, scratch_operands = 14 : i64, tpu.core_type = #tpu.core_type<sc_vector_subcore>, window_params = [{transform_indices = #map}, {transform_indices = #map}, {transform_indices = #map1}, {transform_indices = #map2}, {transform_indices = #map1}, {transform_indices = #map2}, {transform_indices = #map1}]} {
    %mul3A = arith.constant 2 : i32
    %mul3A_0 = arith.muli %arg1, %mul3A : i32
    %add3A = arith.addi %mul3A_0, %arg0 : i32
    %mul3A_1 = arith.constant 32 : i32
    %mul3A_2 = arith.muli %add3A, %mul3A_1 : i32
    %multiple_of3A = tpu.assume_multiple %mul3A_2, 32 : i32
    "tpu.region"() ({
      %run_scoped3A = tpu.sem_alloc : memref<!tpu.dma_semaphore, #tpu.memory_space<semaphore_mem>>
      tpu.enqueue_dma source(%arg2 : memref<16xi32, #tpu.memory_space<hbm>>) target(%arg9 : memref<16xi32, #tpu.memory_space<vmem>>) target_semaphore(%run_scoped3A : memref<!tpu.dma_semaphore, #tpu.memory_space<semaphore_mem>>)
      tpu.wait_dma2 semaphore(%run_scoped3A : memref<!tpu.dma_semaphore, #tpu.memory_space<semaphore_mem>>) src(%arg2 : memref<16xi32, #tpu.memory_space<hbm>>) dst(%arg9 : memref<16xi32, #tpu.memory_space<vmem>>)
      tpu.yield
    }) : () -> ()
    %dma_start3A = arith.constant 0 : i32
    %dma_start3A_3 = tpu.memref_slice %arg3[%dma_start3A] : memref<1xi32, #tpu.memory_space<hbm>> -> memref<1xi32, #tpu.memory_space<hbm>>
    tpu.enqueue_indirect_dma source(%dma_start3A_3 : memref<1xi32, #tpu.memory_space<hbm>>) target(%arg10 : memref<16xi32, #tpu.memory_space<vmem>>) offsets(%arg9 : memref<16xi32, #tpu.memory_space<vmem>>) semaphore(%arg16 : memref<!tpu.dma_semaphore, #tpu.memory_space<semaphore_mem>>)
    %dma_wait3A = arith.constant 0 : i32
    %dma_wait3A_4 = tpu.memref_slice %arg3[%dma_wait3A] : memref<1xi32, #tpu.memory_space<hbm>> -> memref<1xi32, #tpu.memory_space<hbm>>
    tpu.wait_indirect_dma semaphore(%arg16 : memref<!tpu.dma_semaphore, #tpu.memory_space<semaphore_mem>>) src(%dma_wait3A_4 : memref<1xi32, #tpu.memory_space<hbm>>) dst(%arg10 : memref<16xi32, #tpu.memory_space<vmem>>)
    %dma_start3A_5 = arith.constant 0 : i32
    %dma_start3A_6 = tpu.memref_slice %arg10[%dma_start3A_5] : memref<16xi32, #tpu.memory_space<vmem>> -> memref<1xi32, #tpu.memory_space<vmem>>
    %dma_start3A_7 = arith.constant 0 : i32
    %dma_start3A_8 = arith.constant 0 : i32
    %dma_start3A_9 = tpu.memref_slice %arg4[%dma_start3A_7, %dma_start3A_8] : memref<4x1024xi32, #tpu.memory_space<hbm>> -> memref<4x1024xi32, #tpu.memory_space<hbm>>
    tpu.enqueue_indirect_dma source(%dma_start3A_9 : memref<4x1024xi32, #tpu.memory_space<hbm>>) target(%arg11 : memref<1x1024xi32, #tpu.memory_space<vmem>>) offsets(%dma_start3A_6 : memref<1xi32, #tpu.memory_space<vmem>>) semaphore(%arg16 : memref<!tpu.dma_semaphore, #tpu.memory_space<semaphore_mem>>)
    %dma_wait3A_10 = arith.constant 0 : i32
    %dma_wait3A_11 = tpu.memref_slice %arg10[%dma_wait3A_10] : memref<16xi32, #tpu.memory_space<vmem>> -> memref<1xi32, #tpu.memory_space<vmem>>
    %dma_wait3A_12 = arith.constant 0 : i32
    %dma_wait3A_13 = arith.constant 0 : i32
    %dma_wait3A_14 = tpu.memref_slice %arg4[%dma_wait3A_12, %dma_wait3A_13] : memref<4x1024xi32, #tpu.memory_space<hbm>> -> memref<4x1024xi32, #tpu.memory_space<hbm>>
    tpu.wait_indirect_dma semaphore(%arg16 : memref<!tpu.dma_semaphore, #tpu.memory_space<semaphore_mem>>) src(%dma_wait3A_14 : memref<4x1024xi32, #tpu.memory_space<hbm>>) dst(%arg11 : memref<1x1024xi32, #tpu.memory_space<vmem>>)
    %dma_start3A_15 = arith.constant 0 : i32
    %dma_start3A_16 = tpu.memref_slice %arg11[%dma_start3A_15, %multiple_of3A] : memref<1x1024xi32, #tpu.memory_space<vmem>> -> memref<1x32xi32, #tpu.memory_space<vmem>>
    %dma_start3A_17 = tpu.memref_squeeze %dma_start3A_16 : memref<1x32xi32, #tpu.memory_space<vmem>> -> memref<32xi32, #tpu.memory_space<vmem>>
    %dma_start3A_18 = arith.constant 0 : i32
    %dma_start3A_19 = arith.constant 0 : i32
    %dma_start3A_20 = tpu.memref_slice %arg6[%dma_start3A_18, %dma_start3A_19] : memref<1024x256xf32, #tpu.memory_space<hbm>> -> memref<1024x256xf32, #tpu.memory_space<hbm>>
    tpu.enqueue_indirect_dma source(%dma_start3A_20 : memref<1024x256xf32, #tpu.memory_space<hbm>>) target(%arg12 : memref<32x256xf32, #tpu.memory_space<vmem>>) offsets(%dma_start3A_17 : memref<32xi32, #tpu.memory_space<vmem>>) semaphore(%arg16 : memref<!tpu.dma_semaphore, #tpu.memory_space<semaphore_mem>>)
    %multiple_of3A_21 = arith.constant 0 : i32
    %multiple_of3A_22 = tpu.assume_multiple %multiple_of3A_21, 8 : i32
    %multiple_of3A_23 = arith.constant 0 : i32
    %multiple_of3A_24 = tpu.assume_multiple %multiple_of3A_23, 16 : i32
    %add3A_25 = arith.addi %multiple_of3A, %multiple_of3A_22 : i32
    %dma_start3A_26 = arith.constant 0 : i32
    %dma_start3A_27 = tpu.memref_slice %arg11[%dma_start3A_26, %add3A_25] : memref<1x1024xi32, #tpu.memory_space<vmem>> -> memref<1x8xi32, #tpu.memory_space<vmem>>
    %dma_start3A_28 = tpu.memref_squeeze %dma_start3A_27 : memref<1x8xi32, #tpu.memory_space<vmem>> -> memref<8xi32, #tpu.memory_space<vmem>>
    %dma_start3A_29 = arith.constant 0 : i32
    %dma_start3A_30 = arith.constant 0 : i32
    %dma_start3A_31 = tpu.memref_slice %arg5[%dma_start3A_29, %multiple_of3A_24, %dma_start3A_30] : memref<1024x256x256xf32, #tpu.memory_space<hbm>> -> memref<1024x16x256xf32, #tpu.memory_space<hbm>>
    tpu.enqueue_indirect_dma source(%dma_start3A_31 : memref<1024x16x256xf32, #tpu.memory_space<hbm>>) target(%arg13 : memref<8x16x256xf32, #tpu.memory_space<vmem>>) offsets(%dma_start3A_28 : memref<8xi32, #tpu.memory_space<vmem>>) semaphore(%arg17 : memref<!tpu.dma_semaphore, #tpu.memory_space<semaphore_mem>>)
    %multiple_of3A_32 = arith.constant 0 : i32
    %multiple_of3A_33 = tpu.assume_multiple %multiple_of3A_32, 8 : i32
    %multiple_of3A_34 = arith.constant 16 : i32
    %multiple_of3A_35 = tpu.assume_multiple %multiple_of3A_34, 16 : i32
    %add3A_36 = arith.addi %multiple_of3A, %multiple_of3A_33 : i32
    %dma_start3A_37 = arith.constant 0 : i32
    %dma_start3A_38 = tpu.memref_slice %arg11[%dma_start3A_37, %add3A_36] : memref<1x1024xi32, #tpu.memory_space<vmem>> -> memref<1x8xi32, #tpu.memory_space<vmem>>
    %dma_start3A_39 = tpu.memref_squeeze %dma_start3A_38 : memref<1x8xi32, #tpu.memory_space<vmem>> -> memref<8xi32, #tpu.memory_space<vmem>>
    %dma_start3A_40 = arith.constant 0 : i32
    %dma_start3A_41 = arith.constant 0 : i32
    %dma_start3A_42 = tpu.memref_slice %arg5[%dma_start3A_40, %multiple_of3A_35, %dma_start3A_41] : memref<1024x256x256xf32, #tpu.memory_space<hbm>> -> memref<1024x16x256xf32, #tpu.memory_space<hbm>>
    tpu.enqueue_indirect_dma source(%dma_start3A_42 : memref<1024x16x256xf32, #tpu.memory_space<hbm>>) target(%arg14 : memref<8x16x256xf32, #tpu.memory_space<vmem>>) offsets(%dma_start3A_39 : memref<8xi32, #tpu.memory_space<vmem>>) semaphore(%arg18 : memref<!tpu.dma_semaphore, #tpu.memory_space<semaphore_mem>>)
    %scan3A = arith.constant 0 : i32
    %scan3A_43 = arith.constant 0 : i32
    %scan3A_44 = arith.constant 21 : i32
    %scan3A_45 = arith.addi %scan3A_43, %scan3A_44 : i32
    %scan3A_46 = arith.constant 1 : i32
    scf.for %scan3A_101 = %scan3A_43 to %scan3A_45 step %scan3A_46  : i32 {
      %mul3A_102 = arith.constant 3 : i32
      %mul3A_103 = arith.muli %scan3A_101, %mul3A_102 : i32
      %add3A_104 = arith.constant 0 : i32
      %add3A_105 = arith.addi %mul3A_103, %add3A_104 : i32
      %jit3A = arith.constant 16 : i32
      %div3A = arith.divsi %add3A_105, %jit3A : i32
      %sign3A = arith.constant 0 : i32
      %sign3A_106 = arith.cmpi sgt, %add3A_105, %sign3A : i32
      %sign3A_107 = arith.extui %sign3A_106 : i1 to i32
      %sign3A_108 = arith.constant 0 : i32
      %sign3A_109 = arith.cmpi slt, %add3A_105, %sign3A_108 : i32
      %sign3A_110 = arith.extui %sign3A_109 : i1 to i32
      %sign3A_111 = arith.subi %sign3A_107, %sign3A_110 : i32
      %sign3A_112 = arith.constant 0 : i32
      %sign3A_113 = arith.cmpi sgt, %jit3A, %sign3A_112 : i32
      %sign3A_114 = arith.extui %sign3A_113 : i1 to i32
      %sign3A_115 = arith.constant 0 : i32
      %sign3A_116 = arith.cmpi slt, %jit3A, %sign3A_115 : i32
      %sign3A_117 = arith.extui %sign3A_116 : i1 to i32
      %sign3A_118 = arith.subi %sign3A_114, %sign3A_117 : i32
      %ne3A = arith.cmpi ne, %sign3A_111, %sign3A_118 : i32
      %rem3A = arith.remsi %add3A_105, %jit3A : i32
      %ne3A_119 = arith.constant 0 : i32
      %ne3A_120 = arith.cmpi ne, %rem3A, %ne3A_119 : i32
      %and3A = arith.andi %ne3A, %ne3A_120 : i1
      %sub3A = arith.constant 1 : i32
      %sub3A_121 = arith.subi %div3A, %sub3A : i32
      %select_n3A = arith.select %and3A, %sub3A_121, %div3A : i32
      %mul3A_122 = arith.constant 8 : i32
      %mul3A_123 = arith.muli %select_n3A, %mul3A_122 : i32
      %multiple_of3A_124 = tpu.assume_multiple %mul3A_123, 8 : i32
      %jit3A_125 = arith.constant 16 : i32
      %eq3A = arith.constant 0 : i32
      %eq3A_126 = arith.cmpi eq, %jit3A_125, %eq3A : i32
      %jit3A_127 = arith.constant 1 : i32
      %select_n3A_128 = arith.select %eq3A_126, %jit3A_127, %jit3A_125 : i32
      %rem3A_129 = arith.remsi %add3A_105, %select_n3A_128 : i32
      %ne3A_130 = arith.constant 0 : i32
      %ne3A_131 = arith.cmpi ne, %rem3A_129, %ne3A_130 : i32
      %lt3A = arith.constant 0 : i32
      %lt3A_132 = arith.cmpi slt, %rem3A_129, %lt3A : i32
      %lt3A_133 = arith.constant 0 : i32
      %lt3A_134 = arith.cmpi slt, %select_n3A_128, %lt3A_133 : i32
      %ne3A_135 = arith.xori %lt3A_132, %lt3A_134 : i1
      %and3A_136 = arith.andi %ne3A_135, %ne3A_131 : i1
      %add3A_137 = arith.addi %rem3A_129, %select_n3A_128 : i32
      %select_n3A_138 = arith.select %and3A_136, %add3A_137, %rem3A_129 : i32
      %mul3A_139 = arith.constant 16 : i32
      %mul3A_140 = arith.muli %select_n3A_138, %mul3A_139 : i32
      %multiple_of3A_141 = tpu.assume_multiple %mul3A_140, 16 : i32
      %add3A_142 = arith.addi %multiple_of3A, %multiple_of3A_124 : i32
      %dma_wait3A_143 = arith.constant 0 : i32
      %dma_wait3A_144 = tpu.memref_slice %arg11[%dma_wait3A_143, %add3A_142] : memref<1x1024xi32, #tpu.memory_space<vmem>> -> memref<1x8xi32, #tpu.memory_space<vmem>>
      %dma_wait3A_145 = tpu.memref_squeeze %dma_wait3A_144 : memref<1x8xi32, #tpu.memory_space<vmem>> -> memref<8xi32, #tpu.memory_space<vmem>>
      %dma_wait3A_146 = arith.constant 0 : i32
      %dma_wait3A_147 = arith.constant 0 : i32
      %dma_wait3A_148 = tpu.memref_slice %arg5[%dma_wait3A_146, %multiple_of3A_141, %dma_wait3A_147] : memref<1024x256x256xf32, #tpu.memory_space<hbm>> -> memref<1024x16x256xf32, #tpu.memory_space<hbm>>
      tpu.wait_indirect_dma semaphore(%arg17 : memref<!tpu.dma_semaphore, #tpu.memory_space<semaphore_mem>>) src(%dma_wait3A_148 : memref<1024x16x256xf32, #tpu.memory_space<hbm>>) dst(%arg13 : memref<8x16x256xf32, #tpu.memory_space<vmem>>)
      %jit3A_149 = arith.constant 16 : i32
      %div3A_150 = arith.divsi %add3A_105, %jit3A_149 : i32
      %sign3A_151 = arith.constant 0 : i32
      %sign3A_152 = arith.cmpi sgt, %add3A_105, %sign3A_151 : i32
      %sign3A_153 = arith.extui %sign3A_152 : i1 to i32
      %sign3A_154 = arith.constant 0 : i32
      %sign3A_155 = arith.cmpi slt, %add3A_105, %sign3A_154 : i32
      %sign3A_156 = arith.extui %sign3A_155 : i1 to i32
      %sign3A_157 = arith.subi %sign3A_153, %sign3A_156 : i32
      %sign3A_158 = arith.constant 0 : i32
      %sign3A_159 = arith.cmpi sgt, %jit3A_149, %sign3A_158 : i32
      %sign3A_160 = arith.extui %sign3A_159 : i1 to i32
      %sign3A_161 = arith.constant 0 : i32
      %sign3A_162 = arith.cmpi slt, %jit3A_149, %sign3A_161 : i32
      %sign3A_163 = arith.extui %sign3A_162 : i1 to i32
      %sign3A_164 = arith.subi %sign3A_160, %sign3A_163 : i32
      %ne3A_165 = arith.cmpi ne, %sign3A_157, %sign3A_164 : i32
      %rem3A_166 = arith.remsi %add3A_105, %jit3A_149 : i32
      %ne3A_167 = arith.constant 0 : i32
      %ne3A_168 = arith.cmpi ne, %rem3A_166, %ne3A_167 : i32
      %and3A_169 = arith.andi %ne3A_165, %ne3A_168 : i1
      %sub3A_170 = arith.constant 1 : i32
      %sub3A_171 = arith.subi %div3A_150, %sub3A_170 : i32
      %select_n3A_172 = arith.select %and3A_169, %sub3A_171, %div3A_150 : i32
      %mul3A_173 = arith.constant 8 : i32
      %mul3A_174 = arith.muli %select_n3A_172, %mul3A_173 : i32
      %multiple_of3A_175 = tpu.assume_multiple %mul3A_174, 8 : i32
      %jit3A_176 = arith.constant 16 : i32
      %eq3A_177 = arith.constant 0 : i32
      %eq3A_178 = arith.cmpi eq, %jit3A_176, %eq3A_177 : i32
      %jit3A_179 = arith.constant 1 : i32
      %select_n3A_180 = arith.select %eq3A_178, %jit3A_179, %jit3A_176 : i32
      %rem3A_181 = arith.remsi %add3A_105, %select_n3A_180 : i32
      %ne3A_182 = arith.constant 0 : i32
      %ne3A_183 = arith.cmpi ne, %rem3A_181, %ne3A_182 : i32
      %lt3A_184 = arith.constant 0 : i32
      %lt3A_185 = arith.cmpi slt, %rem3A_181, %lt3A_184 : i32
      %lt3A_186 = arith.constant 0 : i32
      %lt3A_187 = arith.cmpi slt, %select_n3A_180, %lt3A_186 : i32
      %ne3A_188 = arith.xori %lt3A_185, %lt3A_187 : i1
      %and3A_189 = arith.andi %ne3A_188, %ne3A_183 : i1
      %add3A_190 = arith.addi %rem3A_181, %select_n3A_180 : i32
      %select_n3A_191 = arith.select %and3A_189, %add3A_190, %rem3A_181 : i32
      %mul3A_192 = arith.constant 16 : i32
      %mul3A_193 = arith.muli %select_n3A_191, %mul3A_192 : i32
      %multiple_of3A_194 = tpu.assume_multiple %mul3A_193, 16 : i32
      %add3A_195 = arith.addi %multiple_of3A, %multiple_of3A_175 : i32
      %dma_start3A_196 = arith.constant 0 : i32
      %dma_start3A_197 = tpu.memref_slice %arg7[%add3A_195, %multiple_of3A_194, %dma_start3A_196] : memref<1024x256x256xf32, #tpu.memory_space<hbm>> -> memref<8x16x256xf32, #tpu.memory_space<hbm>>
      %dma_start3A_198 = arith.constant 0 : i32
      %dma_start3A_199 = tpu.memref_slice %arg7[%add3A_195, %multiple_of3A_194, %dma_start3A_198] : memref<1024x256x256xf32, #tpu.memory_space<hbm>> -> memref<8x16x256xf32, #tpu.memory_space<hbm>>
      tpu.enqueue_dma source(%arg13 : memref<8x16x256xf32, #tpu.memory_space<vmem>>) target(%dma_start3A_199 : memref<8x16x256xf32, #tpu.memory_space<hbm>>) target_semaphore(%arg20 : memref<!tpu.dma_semaphore, #tpu.memory_space<semaphore_mem>>)
      %add3A_200 = arith.constant 2 : i32
      %add3A_201 = arith.addi %add3A_105, %add3A_200 : i32
      %lt3A_202 = arith.constant 64 : i32
      %lt3A_203 = arith.cmpi slt, %add3A_201, %lt3A_202 : i32
      %convert_element_type3A = arith.extui %lt3A_203 : i1 to i32
      %cond3A = arith.constant 0 : i32
      %cond3A_204 = arith.cmpi ne, %convert_element_type3A, %cond3A : i32
      scf.if %cond3A_204 {
        %ge3A = arith.constant 1 : i32
        %ge3A_435 = arith.cmpi sge, %add3A_105, %ge3A : i32
        %convert_element_type3A_436 = arith.extui %ge3A_435 : i1 to i32
        %cond3A_437 = arith.constant 0 : i32
        %cond3A_438 = arith.cmpi ne, %convert_element_type3A_436, %cond3A_437 : i32
        scf.if %cond3A_438 {
          %sub3A_492 = arith.constant 1 : i32
          %sub3A_493 = arith.subi %add3A_105, %sub3A_492 : i32
          %jit3A_494 = arith.constant 16 : i32
          %div3A_495 = arith.divsi %sub3A_493, %jit3A_494 : i32
          %sign3A_496 = arith.constant 0 : i32
          %sign3A_497 = arith.cmpi sgt, %sub3A_493, %sign3A_496 : i32
          %sign3A_498 = arith.extui %sign3A_497 : i1 to i32
          %sign3A_499 = arith.constant 0 : i32
          %sign3A_500 = arith.cmpi slt, %sub3A_493, %sign3A_499 : i32
          %sign3A_501 = arith.extui %sign3A_500 : i1 to i32
          %sign3A_502 = arith.subi %sign3A_498, %sign3A_501 : i32
          %sign3A_503 = arith.constant 0 : i32
          %sign3A_504 = arith.cmpi sgt, %jit3A_494, %sign3A_503 : i32
          %sign3A_505 = arith.extui %sign3A_504 : i1 to i32
          %sign3A_506 = arith.constant 0 : i32
          %sign3A_507 = arith.cmpi slt, %jit3A_494, %sign3A_506 : i32
          %sign3A_508 = arith.extui %sign3A_507 : i1 to i32
          %sign3A_509 = arith.subi %sign3A_505, %sign3A_508 : i32
          %ne3A_510 = arith.cmpi ne, %sign3A_502, %sign3A_509 : i32
          %rem3A_511 = arith.remsi %sub3A_493, %jit3A_494 : i32
          %ne3A_512 = arith.constant 0 : i32
          %ne3A_513 = arith.cmpi ne, %rem3A_511, %ne3A_512 : i32
          %and3A_514 = arith.andi %ne3A_510, %ne3A_513 : i1
          %sub3A_515 = arith.constant 1 : i32
          %sub3A_516 = arith.subi %div3A_495, %sub3A_515 : i32
          %select_n3A_517 = arith.select %and3A_514, %sub3A_516, %div3A_495 : i32
          %mul3A_518 = arith.constant 8 : i32
          %mul3A_519 = arith.muli %select_n3A_517, %mul3A_518 : i32
          %multiple_of3A_520 = tpu.assume_multiple %mul3A_519, 8 : i32
          %jit3A_521 = arith.constant 16 : i32
          %eq3A_522 = arith.constant 0 : i32
          %eq3A_523 = arith.cmpi eq, %jit3A_521, %eq3A_522 : i32
          %jit3A_524 = arith.constant 1 : i32
          %select_n3A_525 = arith.select %eq3A_523, %jit3A_524, %jit3A_521 : i32
          %rem3A_526 = arith.remsi %sub3A_493, %select_n3A_525 : i32
          %ne3A_527 = arith.constant 0 : i32
          %ne3A_528 = arith.cmpi ne, %rem3A_526, %ne3A_527 : i32
          %lt3A_529 = arith.constant 0 : i32
          %lt3A_530 = arith.cmpi slt, %rem3A_526, %lt3A_529 : i32
          %lt3A_531 = arith.constant 0 : i32
          %lt3A_532 = arith.cmpi slt, %select_n3A_525, %lt3A_531 : i32
          %ne3A_533 = arith.xori %lt3A_530, %lt3A_532 : i1
          %and3A_534 = arith.andi %ne3A_533, %ne3A_528 : i1
          %add3A_535 = arith.addi %rem3A_526, %select_n3A_525 : i32
          %select_n3A_536 = arith.select %and3A_534, %add3A_535, %rem3A_526 : i32
          %mul3A_537 = arith.constant 16 : i32
          %mul3A_538 = arith.muli %select_n3A_536, %mul3A_537 : i32
          %multiple_of3A_539 = tpu.assume_multiple %mul3A_538, 16 : i32
          %add3A_540 = arith.addi %multiple_of3A, %multiple_of3A_520 : i32
          %dma_wait3A_541 = arith.constant 0 : i32
          %dma_wait3A_542 = tpu.memref_slice %arg7[%add3A_540, %multiple_of3A_539, %dma_wait3A_541] : memref<1024x256x256xf32, #tpu.memory_space<hbm>> -> memref<8x16x256xf32, #tpu.memory_space<hbm>>
          %dma_wait3A_543 = arith.constant 0 : i32
          %dma_wait3A_544 = tpu.memref_slice %arg7[%add3A_540, %multiple_of3A_539, %dma_wait3A_543] : memref<1024x256x256xf32, #tpu.memory_space<hbm>> -> memref<8x16x256xf32, #tpu.memory_space<hbm>>
          tpu.wait_dma2 semaphore(%arg22 : memref<!tpu.dma_semaphore, #tpu.memory_space<semaphore_mem>>) src(%arg15 : memref<8x16x256xf32, #tpu.memory_space<vmem>>) dst(%dma_wait3A_544 : memref<8x16x256xf32, #tpu.memory_space<hbm>>)
        } else {
        }
        %jit3A_439 = arith.constant 16 : i32
        %div3A_440 = arith.divsi %add3A_201, %jit3A_439 : i32
        %sign3A_441 = arith.constant 0 : i32
        %sign3A_442 = arith.cmpi sgt, %add3A_201, %sign3A_441 : i32
        %sign3A_443 = arith.extui %sign3A_442 : i1 to i32
        %sign3A_444 = arith.constant 0 : i32
        %sign3A_445 = arith.cmpi slt, %add3A_201, %sign3A_444 : i32
        %sign3A_446 = arith.extui %sign3A_445 : i1 to i32
        %sign3A_447 = arith.subi %sign3A_443, %sign3A_446 : i32
        %sign3A_448 = arith.constant 0 : i32
        %sign3A_449 = arith.cmpi sgt, %jit3A_439, %sign3A_448 : i32
        %sign3A_450 = arith.extui %sign3A_449 : i1 to i32
        %sign3A_451 = arith.constant 0 : i32
        %sign3A_452 = arith.cmpi slt, %jit3A_439, %sign3A_451 : i32
        %sign3A_453 = arith.extui %sign3A_452 : i1 to i32
        %sign3A_454 = arith.subi %sign3A_450, %sign3A_453 : i32
        %ne3A_455 = arith.cmpi ne, %sign3A_447, %sign3A_454 : i32
        %rem3A_456 = arith.remsi %add3A_201, %jit3A_439 : i32
        %ne3A_457 = arith.constant 0 : i32
        %ne3A_458 = arith.cmpi ne, %rem3A_456, %ne3A_457 : i32
        %and3A_459 = arith.andi %ne3A_455, %ne3A_458 : i1
        %sub3A_460 = arith.constant 1 : i32
        %sub3A_461 = arith.subi %div3A_440, %sub3A_460 : i32
        %select_n3A_462 = arith.select %and3A_459, %sub3A_461, %div3A_440 : i32
        %mul3A_463 = arith.constant 8 : i32
        %mul3A_464 = arith.muli %select_n3A_462, %mul3A_463 : i32
        %multiple_of3A_465 = tpu.assume_multiple %mul3A_464, 8 : i32
        %jit3A_466 = arith.constant 16 : i32
        %eq3A_467 = arith.constant 0 : i32
        %eq3A_468 = arith.cmpi eq, %jit3A_466, %eq3A_467 : i32
        %jit3A_469 = arith.constant 1 : i32
        %select_n3A_470 = arith.select %eq3A_468, %jit3A_469, %jit3A_466 : i32
        %rem3A_471 = arith.remsi %add3A_201, %select_n3A_470 : i32
        %ne3A_472 = arith.constant 0 : i32
        %ne3A_473 = arith.cmpi ne, %rem3A_471, %ne3A_472 : i32
        %lt3A_474 = arith.constant 0 : i32
        %lt3A_475 = arith.cmpi slt, %rem3A_471, %lt3A_474 : i32
        %lt3A_476 = arith.constant 0 : i32
        %lt3A_477 = arith.cmpi slt, %select_n3A_470, %lt3A_476 : i32
        %ne3A_478 = arith.xori %lt3A_475, %lt3A_477 : i1
        %and3A_479 = arith.andi %ne3A_478, %ne3A_473 : i1
        %add3A_480 = arith.addi %rem3A_471, %select_n3A_470 : i32
        %select_n3A_481 = arith.select %and3A_479, %add3A_480, %rem3A_471 : i32
        %mul3A_482 = arith.constant 16 : i32
        %mul3A_483 = arith.muli %select_n3A_481, %mul3A_482 : i32
        %multiple_of3A_484 = tpu.assume_multiple %mul3A_483, 16 : i32
        %add3A_485 = arith.addi %multiple_of3A, %multiple_of3A_465 : i32
        %dma_start3A_486 = arith.constant 0 : i32
        %dma_start3A_487 = tpu.memref_slice %arg11[%dma_start3A_486, %add3A_485] : memref<1x1024xi32, #tpu.memory_space<vmem>> -> memref<1x8xi32, #tpu.memory_space<vmem>>
        %dma_start3A_488 = tpu.memref_squeeze %dma_start3A_487 : memref<1x8xi32, #tpu.memory_space<vmem>> -> memref<8xi32, #tpu.memory_space<vmem>>
        %dma_start3A_489 = arith.constant 0 : i32
        %dma_start3A_490 = arith.constant 0 : i32
        %dma_start3A_491 = tpu.memref_slice %arg5[%dma_start3A_489, %multiple_of3A_484, %dma_start3A_490] : memref<1024x256x256xf32, #tpu.memory_space<hbm>> -> memref<1024x16x256xf32, #tpu.memory_space<hbm>>
        tpu.enqueue_indirect_dma source(%dma_start3A_491 : memref<1024x16x256xf32, #tpu.memory_space<hbm>>) target(%arg15 : memref<8x16x256xf32, #tpu.memory_space<vmem>>) offsets(%dma_start3A_488 : memref<8xi32, #tpu.memory_space<vmem>>) semaphore(%arg19 : memref<!tpu.dma_semaphore, #tpu.memory_space<semaphore_mem>>)
      } else {
      }
      %mul3A_205 = arith.constant 3 : i32
      %mul3A_206 = arith.muli %scan3A_101, %mul3A_205 : i32
      %add3A_207 = arith.constant 1 : i32
      %add3A_208 = arith.addi %mul3A_206, %add3A_207 : i32
      %jit3A_209 = arith.constant 16 : i32
      %div3A_210 = arith.divsi %add3A_208, %jit3A_209 : i32
      %sign3A_211 = arith.constant 0 : i32
      %sign3A_212 = arith.cmpi sgt, %add3A_208, %sign3A_211 : i32
      %sign3A_213 = arith.extui %sign3A_212 : i1 to i32
      %sign3A_214 = arith.constant 0 : i32
      %sign3A_215 = arith.cmpi slt, %add3A_208, %sign3A_214 : i32
      %sign3A_216 = arith.extui %sign3A_215 : i1 to i32
      %sign3A_217 = arith.subi %sign3A_213, %sign3A_216 : i32
      %sign3A_218 = arith.constant 0 : i32
      %sign3A_219 = arith.cmpi sgt, %jit3A_209, %sign3A_218 : i32
      %sign3A_220 = arith.extui %sign3A_219 : i1 to i32
      %sign3A_221 = arith.constant 0 : i32
      %sign3A_222 = arith.cmpi slt, %jit3A_209, %sign3A_221 : i32
      %sign3A_223 = arith.extui %sign3A_222 : i1 to i32
      %sign3A_224 = arith.subi %sign3A_220, %sign3A_223 : i32
      %ne3A_225 = arith.cmpi ne, %sign3A_217, %sign3A_224 : i32
      %rem3A_226 = arith.remsi %add3A_208, %jit3A_209 : i32
      %ne3A_227 = arith.constant 0 : i32
      %ne3A_228 = arith.cmpi ne, %rem3A_226, %ne3A_227 : i32
      %and3A_229 = arith.andi %ne3A_225, %ne3A_228 : i1
      %sub3A_230 = arith.constant 1 : i32
      %sub3A_231 = arith.subi %div3A_210, %sub3A_230 : i32
      %select_n3A_232 = arith.select %and3A_229, %sub3A_231, %div3A_210 : i32
      %mul3A_233 = arith.constant 8 : i32
      %mul3A_234 = arith.muli %select_n3A_232, %mul3A_233 : i32
      %multiple_of3A_235 = tpu.assume_multiple %mul3A_234, 8 : i32
      %jit3A_236 = arith.constant 16 : i32
      %eq3A_237 = arith.constant 0 : i32
      %eq3A_238 = arith.cmpi eq, %jit3A_236, %eq3A_237 : i32
      %jit3A_239 = arith.constant 1 : i32
      %select_n3A_240 = arith.select %eq3A_238, %jit3A_239, %jit3A_236 : i32
      %rem3A_241 = arith.remsi %add3A_208, %select_n3A_240 : i32
      %ne3A_242 = arith.constant 0 : i32
      %ne3A_243 = arith.cmpi ne, %rem3A_241, %ne3A_242 : i32
      %lt3A_244 = arith.constant 0 : i32
      %lt3A_245 = arith.cmpi slt, %rem3A_241, %lt3A_244 : i32
      %lt3A_246 = arith.constant 0 : i32
      %lt3A_247 = arith.cmpi slt, %select_n3A_240, %lt3A_246 : i32
      %ne3A_248 = arith.xori %lt3A_245, %lt3A_247 : i1
      %and3A_249 = arith.andi %ne3A_248, %ne3A_243 : i1
      %add3A_250 = arith.addi %rem3A_241, %select_n3A_240 : i32
      %select_n3A_251 = arith.select %and3A_249, %add3A_250, %rem3A_241 : i32
      %mul3A_252 = arith.constant 16 : i32
      %mul3A_253 = arith.muli %select_n3A_251, %mul3A_252 : i32
      %multiple_of3A_254 = tpu.assume_multiple %mul3A_253, 16 : i32
      %add3A_255 = arith.addi %multiple_of3A, %multiple_of3A_235 : i32
      %dma_wait3A_256 = arith.constant 0 : i32
      %dma_wait3A_257 = tpu.memref_slice %arg11[%dma_wait3A_256, %add3A_255] : memref<1x1024xi32, #tpu.memory_space<vmem>> -> memref<1x8xi32, #tpu.memory_space<vmem>>
      %dma_wait3A_258 = tpu.memref_squeeze %dma_wait3A_257 : memref<1x8xi32, #tpu.memory_space<vmem>> -> memref<8xi32, #tpu.memory_space<vmem>>
      %dma_wait3A_259 = arith.constant 0 : i32
      %dma_wait3A_260 = arith.constant 0 : i32
      %dma_wait3A_261 = tpu.memref_slice %arg5[%dma_wait3A_259, %multiple_of3A_254, %dma_wait3A_260] : memref<1024x256x256xf32, #tpu.memory_space<hbm>> -> memref<1024x16x256xf32, #tpu.memory_space<hbm>>
      tpu.wait_indirect_dma semaphore(%arg18 : memref<!tpu.dma_semaphore, #tpu.memory_space<semaphore_mem>>) src(%dma_wait3A_261 : memref<1024x16x256xf32, #tpu.memory_space<hbm>>) dst(%arg14 : memref<8x16x256xf32, #tpu.memory_space<vmem>>)
      %jit3A_262 = arith.constant 16 : i32
      %div3A_263 = arith.divsi %add3A_208, %jit3A_262 : i32
      %sign3A_264 = arith.constant 0 : i32
      %sign3A_265 = arith.cmpi sgt, %add3A_208, %sign3A_264 : i32
      %sign3A_266 = arith.extui %sign3A_265 : i1 to i32
      %sign3A_267 = arith.constant 0 : i32
      %sign3A_268 = arith.cmpi slt, %add3A_208, %sign3A_267 : i32
      %sign3A_269 = arith.extui %sign3A_268 : i1 to i32
      %sign3A_270 = arith.subi %sign3A_266, %sign3A_269 : i32
      %sign3A_271 = arith.constant 0 : i32
      %sign3A_272 = arith.cmpi sgt, %jit3A_262, %sign3A_271 : i32
      %sign3A_273 = arith.extui %sign3A_272 : i1 to i32
      %sign3A_274 = arith.constant 0 : i32
      %sign3A_275 = arith.cmpi slt, %jit3A_262, %sign3A_274 : i32
      %sign3A_276 = arith.extui %sign3A_275 : i1 to i32
      %sign3A_277 = arith.subi %sign3A_273, %sign3A_276 : i32
      %ne3A_278 = arith.cmpi ne, %sign3A_270, %sign3A_277 : i32
      %rem3A_279 = arith.remsi %add3A_208, %jit3A_262 : i32
      %ne3A_280 = arith.constant 0 : i32
      %ne3A_281 = arith.cmpi ne, %rem3A_279, %ne3A_280 : i32
      %and3A_282 = arith.andi %ne3A_278, %ne3A_281 : i1
      %sub3A_283 = arith.constant 1 : i32
      %sub3A_284 = arith.subi %div3A_263, %sub3A_283 : i32
      %select_n3A_285 = arith.select %and3A_282, %sub3A_284, %div3A_263 : i32
      %mul3A_286 = arith.constant 8 : i32
      %mul3A_287 = arith.muli %select_n3A_285, %mul3A_286 : i32
      %multiple_of3A_288 = tpu.assume_multiple %mul3A_287, 8 : i32
      %jit3A_289 = arith.constant 16 : i32
      %eq3A_290 = arith.constant 0 : i32
      %eq3A_291 = arith.cmpi eq, %jit3A_289, %eq3A_290 : i32
      %jit3A_292 = arith.constant 1 : i32
      %select_n3A_293 = arith.select %eq3A_291, %jit3A_292, %jit3A_289 : i32
      %rem3A_294 = arith.remsi %add3A_208, %select_n3A_293 : i32
      %ne3A_295 = arith.constant 0 : i32
      %ne3A_296 = arith.cmpi ne, %rem3A_294, %ne3A_295 : i32
      %lt3A_297 = arith.constant 0 : i32
      %lt3A_298 = arith.cmpi slt, %rem3A_294, %lt3A_297 : i32
      %lt3A_299 = arith.constant 0 : i32
      %lt3A_300 = arith.cmpi slt, %select_n3A_293, %lt3A_299 : i32
      %ne3A_301 = arith.xori %lt3A_298, %lt3A_300 : i1
      %and3A_302 = arith.andi %ne3A_301, %ne3A_296 : i1
      %add3A_303 = arith.addi %rem3A_294, %select_n3A_293 : i32
      %select_n3A_304 = arith.select %and3A_302, %add3A_303, %rem3A_294 : i32
      %mul3A_305 = arith.constant 16 : i32
      %mul3A_306 = arith.muli %select_n3A_304, %mul3A_305 : i32
      %multiple_of3A_307 = tpu.assume_multiple %mul3A_306, 16 : i32
      %add3A_308 = arith.addi %multiple_of3A, %multiple_of3A_288 : i32
      %dma_start3A_309 = arith.constant 0 : i32
      %dma_start3A_310 = tpu.memref_slice %arg7[%add3A_308, %multiple_of3A_307, %dma_start3A_309] : memref<1024x256x256xf32, #tpu.memory_space<hbm>> -> memref<8x16x256xf32, #tpu.memory_space<hbm>>
      %dma_start3A_311 = arith.constant 0 : i32
      %dma_start3A_312 = tpu.memref_slice %arg7[%add3A_308, %multiple_of3A_307, %dma_start3A_311] : memref<1024x256x256xf32, #tpu.memory_space<hbm>> -> memref<8x16x256xf32, #tpu.memory_space<hbm>>
      tpu.enqueue_dma source(%arg14 : memref<8x16x256xf32, #tpu.memory_space<vmem>>) target(%dma_start3A_312 : memref<8x16x256xf32, #tpu.memory_space<hbm>>) target_semaphore(%arg21 : memref<!tpu.dma_semaphore, #tpu.memory_space<semaphore_mem>>)
      %add3A_313 = arith.constant 2 : i32
      %add3A_314 = arith.addi %add3A_208, %add3A_313 : i32
      %lt3A_315 = arith.constant 64 : i32
      %lt3A_316 = arith.cmpi slt, %add3A_314, %lt3A_315 : i32
      %convert_element_type3A_317 = arith.extui %lt3A_316 : i1 to i32
      %cond3A_318 = arith.constant 0 : i32
      %cond3A_319 = arith.cmpi ne, %convert_element_type3A_317, %cond3A_318 : i32
      scf.if %cond3A_319 {
        %ge3A = arith.constant 1 : i32
        %ge3A_435 = arith.cmpi sge, %add3A_208, %ge3A : i32
        %convert_element_type3A_436 = arith.extui %ge3A_435 : i1 to i32
        %cond3A_437 = arith.constant 0 : i32
        %cond3A_438 = arith.cmpi ne, %convert_element_type3A_436, %cond3A_437 : i32
        scf.if %cond3A_438 {
          %sub3A_492 = arith.constant 1 : i32
          %sub3A_493 = arith.subi %add3A_208, %sub3A_492 : i32
          %jit3A_494 = arith.constant 16 : i32
          %div3A_495 = arith.divsi %sub3A_493, %jit3A_494 : i32
          %sign3A_496 = arith.constant 0 : i32
          %sign3A_497 = arith.cmpi sgt, %sub3A_493, %sign3A_496 : i32
          %sign3A_498 = arith.extui %sign3A_497 : i1 to i32
          %sign3A_499 = arith.constant 0 : i32
          %sign3A_500 = arith.cmpi slt, %sub3A_493, %sign3A_499 : i32
          %sign3A_501 = arith.extui %sign3A_500 : i1 to i32
          %sign3A_502 = arith.subi %sign3A_498, %sign3A_501 : i32
          %sign3A_503 = arith.constant 0 : i32
          %sign3A_504 = arith.cmpi sgt, %jit3A_494, %sign3A_503 : i32
          %sign3A_505 = arith.extui %sign3A_504 : i1 to i32
          %sign3A_506 = arith.constant 0 : i32
          %sign3A_507 = arith.cmpi slt, %jit3A_494, %sign3A_506 : i32
          %sign3A_508 = arith.extui %sign3A_507 : i1 to i32
          %sign3A_509 = arith.subi %sign3A_505, %sign3A_508 : i32
          %ne3A_510 = arith.cmpi ne, %sign3A_502, %sign3A_509 : i32
          %rem3A_511 = arith.remsi %sub3A_493, %jit3A_494 : i32
          %ne3A_512 = arith.constant 0 : i32
          %ne3A_513 = arith.cmpi ne, %rem3A_511, %ne3A_512 : i32
          %and3A_514 = arith.andi %ne3A_510, %ne3A_513 : i1
          %sub3A_515 = arith.constant 1 : i32
          %sub3A_516 = arith.subi %div3A_495, %sub3A_515 : i32
          %select_n3A_517 = arith.select %and3A_514, %sub3A_516, %div3A_495 : i32
          %mul3A_518 = arith.constant 8 : i32
          %mul3A_519 = arith.muli %select_n3A_517, %mul3A_518 : i32
          %multiple_of3A_520 = tpu.assume_multiple %mul3A_519, 8 : i32
          %jit3A_521 = arith.constant 16 : i32
          %eq3A_522 = arith.constant 0 : i32
          %eq3A_523 = arith.cmpi eq, %jit3A_521, %eq3A_522 : i32
          %jit3A_524 = arith.constant 1 : i32
          %select_n3A_525 = arith.select %eq3A_523, %jit3A_524, %jit3A_521 : i32
          %rem3A_526 = arith.remsi %sub3A_493, %select_n3A_525 : i32
          %ne3A_527 = arith.constant 0 : i32
          %ne3A_528 = arith.cmpi ne, %rem3A_526, %ne3A_527 : i32
          %lt3A_529 = arith.constant 0 : i32
          %lt3A_530 = arith.cmpi slt, %rem3A_526, %lt3A_529 : i32
          %lt3A_531 = arith.constant 0 : i32
          %lt3A_532 = arith.cmpi slt, %select_n3A_525, %lt3A_531 : i32
          %ne3A_533 = arith.xori %lt3A_530, %lt3A_532 : i1
          %and3A_534 = arith.andi %ne3A_533, %ne3A_528 : i1
          %add3A_535 = arith.addi %rem3A_526, %select_n3A_525 : i32
          %select_n3A_536 = arith.select %and3A_534, %add3A_535, %rem3A_526 : i32
          %mul3A_537 = arith.constant 16 : i32
          %mul3A_538 = arith.muli %select_n3A_536, %mul3A_537 : i32
          %multiple_of3A_539 = tpu.assume_multiple %mul3A_538, 16 : i32
          %add3A_540 = arith.addi %multiple_of3A, %multiple_of3A_520 : i32
          %dma_wait3A_541 = arith.constant 0 : i32
          %dma_wait3A_542 = tpu.memref_slice %arg7[%add3A_540, %multiple_of3A_539, %dma_wait3A_541] : memref<1024x256x256xf32, #tpu.memory_space<hbm>> -> memref<8x16x256xf32, #tpu.memory_space<hbm>>
          %dma_wait3A_543 = arith.constant 0 : i32
          %dma_wait3A_544 = tpu.memref_slice %arg7[%add3A_540, %multiple_of3A_539, %dma_wait3A_543] : memref<1024x256x256xf32, #tpu.memory_space<hbm>> -> memref<8x16x256xf32, #tpu.memory_space<hbm>>
          tpu.wait_dma2 semaphore(%arg20 : memref<!tpu.dma_semaphore, #tpu.memory_space<semaphore_mem>>) src(%arg13 : memref<8x16x256xf32, #tpu.memory_space<vmem>>) dst(%dma_wait3A_544 : memref<8x16x256xf32, #tpu.memory_space<hbm>>)
        } else {
        }
        %jit3A_439 = arith.constant 16 : i32
        %div3A_440 = arith.divsi %add3A_314, %jit3A_439 : i32
        %sign3A_441 = arith.constant 0 : i32
        %sign3A_442 = arith.cmpi sgt, %add3A_314, %sign3A_441 : i32
        %sign3A_443 = arith.extui %sign3A_442 : i1 to i32
        %sign3A_444 = arith.constant 0 : i32
        %sign3A_445 = arith.cmpi slt, %add3A_314, %sign3A_444 : i32
        %sign3A_446 = arith.extui %sign3A_445 : i1 to i32
        %sign3A_447 = arith.subi %sign3A_443, %sign3A_446 : i32
        %sign3A_448 = arith.constant 0 : i32
        %sign3A_449 = arith.cmpi sgt, %jit3A_439, %sign3A_448 : i32
        %sign3A_450 = arith.extui %sign3A_449 : i1 to i32
        %sign3A_451 = arith.constant 0 : i32
        %sign3A_452 = arith.cmpi slt, %jit3A_439, %sign3A_451 : i32
        %sign3A_453 = arith.extui %sign3A_452 : i1 to i32
        %sign3A_454 = arith.subi %sign3A_450, %sign3A_453 : i32
        %ne3A_455 = arith.cmpi ne, %sign3A_447, %sign3A_454 : i32
        %rem3A_456 = arith.remsi %add3A_314, %jit3A_439 : i32
        %ne3A_457 = arith.constant 0 : i32
        %ne3A_458 = arith.cmpi ne, %rem3A_456, %ne3A_457 : i32
        %and3A_459 = arith.andi %ne3A_455, %ne3A_458 : i1
        %sub3A_460 = arith.constant 1 : i32
        %sub3A_461 = arith.subi %div3A_440, %sub3A_460 : i32
        %select_n3A_462 = arith.select %and3A_459, %sub3A_461, %div3A_440 : i32
        %mul3A_463 = arith.constant 8 : i32
        %mul3A_464 = arith.muli %select_n3A_462, %mul3A_463 : i32
        %multiple_of3A_465 = tpu.assume_multiple %mul3A_464, 8 : i32
        %jit3A_466 = arith.constant 16 : i32
        %eq3A_467 = arith.constant 0 : i32
        %eq3A_468 = arith.cmpi eq, %jit3A_466, %eq3A_467 : i32
        %jit3A_469 = arith.constant 1 : i32
        %select_n3A_470 = arith.select %eq3A_468, %jit3A_469, %jit3A_466 : i32
        %rem3A_471 = arith.remsi %add3A_314, %select_n3A_470 : i32
        %ne3A_472 = arith.constant 0 : i32
        %ne3A_473 = arith.cmpi ne, %rem3A_471, %ne3A_472 : i32
        %lt3A_474 = arith.constant 0 : i32
        %lt3A_475 = arith.cmpi slt, %rem3A_471, %lt3A_474 : i32
        %lt3A_476 = arith.constant 0 : i32
        %lt3A_477 = arith.cmpi slt, %select_n3A_470, %lt3A_476 : i32
        %ne3A_478 = arith.xori %lt3A_475, %lt3A_477 : i1
        %and3A_479 = arith.andi %ne3A_478, %ne3A_473 : i1
        %add3A_480 = arith.addi %rem3A_471, %select_n3A_470 : i32
        %select_n3A_481 = arith.select %and3A_479, %add3A_480, %rem3A_471 : i32
        %mul3A_482 = arith.constant 16 : i32
        %mul3A_483 = arith.muli %select_n3A_481, %mul3A_482 : i32
        %multiple_of3A_484 = tpu.assume_multiple %mul3A_483, 16 : i32
        %add3A_485 = arith.addi %multiple_of3A, %multiple_of3A_465 : i32
        %dma_start3A_486 = arith.constant 0 : i32
        %dma_start3A_487 = tpu.memref_slice %arg11[%dma_start3A_486, %add3A_485] : memref<1x1024xi32, #tpu.memory_space<vmem>> -> memref<1x8xi32, #tpu.memory_space<vmem>>
        %dma_start3A_488 = tpu.memref_squeeze %dma_start3A_487 : memref<1x8xi32, #tpu.memory_space<vmem>> -> memref<8xi32, #tpu.memory_space<vmem>>
        %dma_start3A_489 = arith.constant 0 : i32
        %dma_start3A_490 = arith.constant 0 : i32
        %dma_start3A_491 = tpu.memref_slice %arg5[%dma_start3A_489, %multiple_of3A_484, %dma_start3A_490] : memref<1024x256x256xf32, #tpu.memory_space<hbm>> -> memref<1024x16x256xf32, #tpu.memory_space<hbm>>
        tpu.enqueue_indirect_dma source(%dma_start3A_491 : memref<1024x16x256xf32, #tpu.memory_space<hbm>>) target(%arg13 : memref<8x16x256xf32, #tpu.memory_space<vmem>>) offsets(%dma_start3A_488 : memref<8xi32, #tpu.memory_space<vmem>>) semaphore(%arg17 : memref<!tpu.dma_semaphore, #tpu.memory_space<semaphore_mem>>)
      } else {
      }
      %mul3A_320 = arith.constant 3 : i32
      %mul3A_321 = arith.muli %scan3A_101, %mul3A_320 : i32
      %add3A_322 = arith.constant 2 : i32
      %add3A_323 = arith.addi %mul3A_321, %add3A_322 : i32
      %jit3A_324 = arith.constant 16 : i32
      %div3A_325 = arith.divsi %add3A_323, %jit3A_324 : i32
      %sign3A_326 = arith.constant 0 : i32
      %sign3A_327 = arith.cmpi sgt, %add3A_323, %sign3A_326 : i32
      %sign3A_328 = arith.extui %sign3A_327 : i1 to i32
      %sign3A_329 = arith.constant 0 : i32
      %sign3A_330 = arith.cmpi slt, %add3A_323, %sign3A_329 : i32
      %sign3A_331 = arith.extui %sign3A_330 : i1 to i32
      %sign3A_332 = arith.subi %sign3A_328, %sign3A_331 : i32
      %sign3A_333 = arith.constant 0 : i32
      %sign3A_334 = arith.cmpi sgt, %jit3A_324, %sign3A_333 : i32
      %sign3A_335 = arith.extui %sign3A_334 : i1 to i32
      %sign3A_336 = arith.constant 0 : i32
      %sign3A_337 = arith.cmpi slt, %jit3A_324, %sign3A_336 : i32
      %sign3A_338 = arith.extui %sign3A_337 : i1 to i32
      %sign3A_339 = arith.subi %sign3A_335, %sign3A_338 : i32
      %ne3A_340 = arith.cmpi ne, %sign3A_332, %sign3A_339 : i32
      %rem3A_341 = arith.remsi %add3A_323, %jit3A_324 : i32
      %ne3A_342 = arith.constant 0 : i32
      %ne3A_343 = arith.cmpi ne, %rem3A_341, %ne3A_342 : i32
      %and3A_344 = arith.andi %ne3A_340, %ne3A_343 : i1
      %sub3A_345 = arith.constant 1 : i32
      %sub3A_346 = arith.subi %div3A_325, %sub3A_345 : i32
      %select_n3A_347 = arith.select %and3A_344, %sub3A_346, %div3A_325 : i32
      %mul3A_348 = arith.constant 8 : i32
      %mul3A_349 = arith.muli %select_n3A_347, %mul3A_348 : i32
      %multiple_of3A_350 = tpu.assume_multiple %mul3A_349, 8 : i32
      %jit3A_351 = arith.constant 16 : i32
      %eq3A_352 = arith.constant 0 : i32
      %eq3A_353 = arith.cmpi eq, %jit3A_351, %eq3A_352 : i32
      %jit3A_354 = arith.constant 1 : i32
      %select_n3A_355 = arith.select %eq3A_353, %jit3A_354, %jit3A_351 : i32
      %rem3A_356 = arith.remsi %add3A_323, %select_n3A_355 : i32
      %ne3A_357 = arith.constant 0 : i32
      %ne3A_358 = arith.cmpi ne, %rem3A_356, %ne3A_357 : i32
      %lt3A_359 = arith.constant 0 : i32
      %lt3A_360 = arith.cmpi slt, %rem3A_356, %lt3A_359 : i32
      %lt3A_361 = arith.constant 0 : i32
      %lt3A_362 = arith.cmpi slt, %select_n3A_355, %lt3A_361 : i32
      %ne3A_363 = arith.xori %lt3A_360, %lt3A_362 : i1
      %and3A_364 = arith.andi %ne3A_363, %ne3A_358 : i1
      %add3A_365 = arith.addi %rem3A_356, %select_n3A_355 : i32
      %select_n3A_366 = arith.select %and3A_364, %add3A_365, %rem3A_356 : i32
      %mul3A_367 = arith.constant 16 : i32
      %mul3A_368 = arith.muli %select_n3A_366, %mul3A_367 : i32
      %multiple_of3A_369 = tpu.assume_multiple %mul3A_368, 16 : i32
      %add3A_370 = arith.addi %multiple_of3A, %multiple_of3A_350 : i32
      %dma_wait3A_371 = arith.constant 0 : i32
      %dma_wait3A_372 = tpu.memref_slice %arg11[%dma_wait3A_371, %add3A_370] : memref<1x1024xi32, #tpu.memory_space<vmem>> -> memref<1x8xi32, #tpu.memory_space<vmem>>
      %dma_wait3A_373 = tpu.memref_squeeze %dma_wait3A_372 : memref<1x8xi32, #tpu.memory_space<vmem>> -> memref<8xi32, #tpu.memory_space<vmem>>
      %dma_wait3A_374 = arith.constant 0 : i32
      %dma_wait3A_375 = arith.constant 0 : i32
      %dma_wait3A_376 = tpu.memref_slice %arg5[%dma_wait3A_374, %multiple_of3A_369, %dma_wait3A_375] : memref<1024x256x256xf32, #tpu.memory_space<hbm>> -> memref<1024x16x256xf32, #tpu.memory_space<hbm>>
      tpu.wait_indirect_dma semaphore(%arg19 : memref<!tpu.dma_semaphore, #tpu.memory_space<semaphore_mem>>) src(%dma_wait3A_376 : memref<1024x16x256xf32, #tpu.memory_space<hbm>>) dst(%arg15 : memref<8x16x256xf32, #tpu.memory_space<vmem>>)
      %jit3A_377 = arith.constant 16 : i32
      %div3A_378 = arith.divsi %add3A_323, %jit3A_377 : i32
      %sign3A_379 = arith.constant 0 : i32
      %sign3A_380 = arith.cmpi sgt, %add3A_323, %sign3A_379 : i32
      %sign3A_381 = arith.extui %sign3A_380 : i1 to i32
      %sign3A_382 = arith.constant 0 : i32
      %sign3A_383 = arith.cmpi slt, %add3A_323, %sign3A_382 : i32
      %sign3A_384 = arith.extui %sign3A_383 : i1 to i32
      %sign3A_385 = arith.subi %sign3A_381, %sign3A_384 : i32
      %sign3A_386 = arith.constant 0 : i32
      %sign3A_387 = arith.cmpi sgt, %jit3A_377, %sign3A_386 : i32
      %sign3A_388 = arith.extui %sign3A_387 : i1 to i32
      %sign3A_389 = arith.constant 0 : i32
      %sign3A_390 = arith.cmpi slt, %jit3A_377, %sign3A_389 : i32
      %sign3A_391 = arith.extui %sign3A_390 : i1 to i32
      %sign3A_392 = arith.subi %sign3A_388, %sign3A_391 : i32
      %ne3A_393 = arith.cmpi ne, %sign3A_385, %sign3A_392 : i32
      %rem3A_394 = arith.remsi %add3A_323, %jit3A_377 : i32
      %ne3A_395 = arith.constant 0 : i32
      %ne3A_396 = arith.cmpi ne, %rem3A_394, %ne3A_395 : i32
      %and3A_397 = arith.andi %ne3A_393, %ne3A_396 : i1
      %sub3A_398 = arith.constant 1 : i32
      %sub3A_399 = arith.subi %div3A_378, %sub3A_398 : i32
      %select_n3A_400 = arith.select %and3A_397, %sub3A_399, %div3A_378 : i32
      %mul3A_401 = arith.constant 8 : i32
      %mul3A_402 = arith.muli %select_n3A_400, %mul3A_401 : i32
      %multiple_of3A_403 = tpu.assume_multiple %mul3A_402, 8 : i32
      %jit3A_404 = arith.constant 16 : i32
      %eq3A_405 = arith.constant 0 : i32
      %eq3A_406 = arith.cmpi eq, %jit3A_404, %eq3A_405 : i32
      %jit3A_407 = arith.constant 1 : i32
      %select_n3A_408 = arith.select %eq3A_406, %jit3A_407, %jit3A_404 : i32
      %rem3A_409 = arith.remsi %add3A_323, %select_n3A_408 : i32
      %ne3A_410 = arith.constant 0 : i32
      %ne3A_411 = arith.cmpi ne, %rem3A_409, %ne3A_410 : i32
      %lt3A_412 = arith.constant 0 : i32
      %lt3A_413 = arith.cmpi slt, %rem3A_409, %lt3A_412 : i32
      %lt3A_414 = arith.constant 0 : i32
      %lt3A_415 = arith.cmpi slt, %select_n3A_408, %lt3A_414 : i32
      %ne3A_416 = arith.xori %lt3A_413, %lt3A_415 : i1
      %and3A_417 = arith.andi %ne3A_416, %ne3A_411 : i1
      %add3A_418 = arith.addi %rem3A_409, %select_n3A_408 : i32
      %select_n3A_419 = arith.select %and3A_417, %add3A_418, %rem3A_409 : i32
      %mul3A_420 = arith.constant 16 : i32
      %mul3A_421 = arith.muli %select_n3A_419, %mul3A_420 : i32
      %multiple_of3A_422 = tpu.assume_multiple %mul3A_421, 16 : i32
      %add3A_423 = arith.addi %multiple_of3A, %multiple_of3A_403 : i32
      %dma_start3A_424 = arith.constant 0 : i32
      %dma_start3A_425 = tpu.memref_slice %arg7[%add3A_423, %multiple_of3A_422, %dma_start3A_424] : memref<1024x256x256xf32, #tpu.memory_space<hbm>> -> memref<8x16x256xf32, #tpu.memory_space<hbm>>
      %dma_start3A_426 = arith.constant 0 : i32
      %dma_start3A_427 = tpu.memref_slice %arg7[%add3A_423, %multiple_of3A_422, %dma_start3A_426] : memref<1024x256x256xf32, #tpu.memory_space<hbm>> -> memref<8x16x256xf32, #tpu.memory_space<hbm>>
      tpu.enqueue_dma source(%arg15 : memref<8x16x256xf32, #tpu.memory_space<vmem>>) target(%dma_start3A_427 : memref<8x16x256xf32, #tpu.memory_space<hbm>>) target_semaphore(%arg22 : memref<!tpu.dma_semaphore, #tpu.memory_space<semaphore_mem>>)
      %add3A_428 = arith.constant 2 : i32
      %add3A_429 = arith.addi %add3A_323, %add3A_428 : i32
      %lt3A_430 = arith.constant 64 : i32
      %lt3A_431 = arith.cmpi slt, %add3A_429, %lt3A_430 : i32
      %convert_element_type3A_432 = arith.extui %lt3A_431 : i1 to i32
      %cond3A_433 = arith.constant 0 : i32
      %cond3A_434 = arith.cmpi ne, %convert_element_type3A_432, %cond3A_433 : i32
      scf.if %cond3A_434 {
        %ge3A = arith.constant 1 : i32
        %ge3A_435 = arith.cmpi sge, %add3A_323, %ge3A : i32
        %convert_element_type3A_436 = arith.extui %ge3A_435 : i1 to i32
        %cond3A_437 = arith.constant 0 : i32
        %cond3A_438 = arith.cmpi ne, %convert_element_type3A_436, %cond3A_437 : i32
        scf.if %cond3A_438 {
          %sub3A_492 = arith.constant 1 : i32
          %sub3A_493 = arith.subi %add3A_323, %sub3A_492 : i32
          %jit3A_494 = arith.constant 16 : i32
          %div3A_495 = arith.divsi %sub3A_493, %jit3A_494 : i32
          %sign3A_496 = arith.constant 0 : i32
          %sign3A_497 = arith.cmpi sgt, %sub3A_493, %sign3A_496 : i32
          %sign3A_498 = arith.extui %sign3A_497 : i1 to i32
          %sign3A_499 = arith.constant 0 : i32
          %sign3A_500 = arith.cmpi slt, %sub3A_493, %sign3A_499 : i32
          %sign3A_501 = arith.extui %sign3A_500 : i1 to i32
          %sign3A_502 = arith.subi %sign3A_498, %sign3A_501 : i32
          %sign3A_503 = arith.constant 0 : i32
          %sign3A_504 = arith.cmpi sgt, %jit3A_494, %sign3A_503 : i32
          %sign3A_505 = arith.extui %sign3A_504 : i1 to i32
          %sign3A_506 = arith.constant 0 : i32
          %sign3A_507 = arith.cmpi slt, %jit3A_494, %sign3A_506 : i32
          %sign3A_508 = arith.extui %sign3A_507 : i1 to i32
          %sign3A_509 = arith.subi %sign3A_505, %sign3A_508 : i32
          %ne3A_510 = arith.cmpi ne, %sign3A_502, %sign3A_509 : i32
          %rem3A_511 = arith.remsi %sub3A_493, %jit3A_494 : i32
          %ne3A_512 = arith.constant 0 : i32
          %ne3A_513 = arith.cmpi ne, %rem3A_511, %ne3A_512 : i32
          %and3A_514 = arith.andi %ne3A_510, %ne3A_513 : i1
          %sub3A_515 = arith.constant 1 : i32
          %sub3A_516 = arith.subi %div3A_495, %sub3A_515 : i32
          %select_n3A_517 = arith.select %and3A_514, %sub3A_516, %div3A_495 : i32
          %mul3A_518 = arith.constant 8 : i32
          %mul3A_519 = arith.muli %select_n3A_517, %mul3A_518 : i32
          %multiple_of3A_520 = tpu.assume_multiple %mul3A_519, 8 : i32
          %jit3A_521 = arith.constant 16 : i32
          %eq3A_522 = arith.constant 0 : i32
          %eq3A_523 = arith.cmpi eq, %jit3A_521, %eq3A_522 : i32
          %jit3A_524 = arith.constant 1 : i32
          %select_n3A_525 = arith.select %eq3A_523, %jit3A_524, %jit3A_521 : i32
          %rem3A_526 = arith.remsi %sub3A_493, %select_n3A_525 : i32
          %ne3A_527 = arith.constant 0 : i32
          %ne3A_528 = arith.cmpi ne, %rem3A_526, %ne3A_527 : i32
          %lt3A_529 = arith.constant 0 : i32
          %lt3A_530 = arith.cmpi slt, %rem3A_526, %lt3A_529 : i32
          %lt3A_531 = arith.constant 0 : i32
          %lt3A_532 = arith.cmpi slt, %select_n3A_525, %lt3A_531 : i32
          %ne3A_533 = arith.xori %lt3A_530, %lt3A_532 : i1
          %and3A_534 = arith.andi %ne3A_533, %ne3A_528 : i1
          %add3A_535 = arith.addi %rem3A_526, %select_n3A_525 : i32
          %select_n3A_536 = arith.select %and3A_534, %add3A_535, %rem3A_526 : i32
          %mul3A_537 = arith.constant 16 : i32
          %mul3A_538 = arith.muli %select_n3A_536, %mul3A_537 : i32
          %multiple_of3A_539 = tpu.assume_multiple %mul3A_538, 16 : i32
          %add3A_540 = arith.addi %multiple_of3A, %multiple_of3A_520 : i32
          %dma_wait3A_541 = arith.constant 0 : i32
          %dma_wait3A_542 = tpu.memref_slice %arg7[%add3A_540, %multiple_of3A_539, %dma_wait3A_541] : memref<1024x256x256xf32, #tpu.memory_space<hbm>> -> memref<8x16x256xf32, #tpu.memory_space<hbm>>
          %dma_wait3A_543 = arith.constant 0 : i32
          %dma_wait3A_544 = tpu.memref_slice %arg7[%add3A_540, %multiple_of3A_539, %dma_wait3A_543] : memref<1024x256x256xf32, #tpu.memory_space<hbm>> -> memref<8x16x256xf32, #tpu.memory_space<hbm>>
          tpu.wait_dma2 semaphore(%arg21 : memref<!tpu.dma_semaphore, #tpu.memory_space<semaphore_mem>>) src(%arg14 : memref<8x16x256xf32, #tpu.memory_space<vmem>>) dst(%dma_wait3A_544 : memref<8x16x256xf32, #tpu.memory_space<hbm>>)
        } else {
        }
        %jit3A_439 = arith.constant 16 : i32
        %div3A_440 = arith.divsi %add3A_429, %jit3A_439 : i32
        %sign3A_441 = arith.constant 0 : i32
        %sign3A_442 = arith.cmpi sgt, %add3A_429, %sign3A_441 : i32
        %sign3A_443 = arith.extui %sign3A_442 : i1 to i32
        %sign3A_444 = arith.constant 0 : i32
        %sign3A_445 = arith.cmpi slt, %add3A_429, %sign3A_444 : i32
        %sign3A_446 = arith.extui %sign3A_445 : i1 to i32
        %sign3A_447 = arith.subi %sign3A_443, %sign3A_446 : i32
        %sign3A_448 = arith.constant 0 : i32
        %sign3A_449 = arith.cmpi sgt, %jit3A_439, %sign3A_448 : i32
        %sign3A_450 = arith.extui %sign3A_449 : i1 to i32
        %sign3A_451 = arith.constant 0 : i32
        %sign3A_452 = arith.cmpi slt, %jit3A_439, %sign3A_451 : i32
        %sign3A_453 = arith.extui %sign3A_452 : i1 to i32
        %sign3A_454 = arith.subi %sign3A_450, %sign3A_453 : i32
        %ne3A_455 = arith.cmpi ne, %sign3A_447, %sign3A_454 : i32
        %rem3A_456 = arith.remsi %add3A_429, %jit3A_439 : i32
        %ne3A_457 = arith.constant 0 : i32
        %ne3A_458 = arith.cmpi ne, %rem3A_456, %ne3A_457 : i32
        %and3A_459 = arith.andi %ne3A_455, %ne3A_458 : i1
        %sub3A_460 = arith.constant 1 : i32
        %sub3A_461 = arith.subi %div3A_440, %sub3A_460 : i32
        %select_n3A_462 = arith.select %and3A_459, %sub3A_461, %div3A_440 : i32
        %mul3A_463 = arith.constant 8 : i32
        %mul3A_464 = arith.muli %select_n3A_462, %mul3A_463 : i32
        %multiple_of3A_465 = tpu.assume_multiple %mul3A_464, 8 : i32
        %jit3A_466 = arith.constant 16 : i32
        %eq3A_467 = arith.constant 0 : i32
        %eq3A_468 = arith.cmpi eq, %jit3A_466, %eq3A_467 : i32
        %jit3A_469 = arith.constant 1 : i32
        %select_n3A_470 = arith.select %eq3A_468, %jit3A_469, %jit3A_466 : i32
        %rem3A_471 = arith.remsi %add3A_429, %select_n3A_470 : i32
        %ne3A_472 = arith.constant 0 : i32
        %ne3A_473 = arith.cmpi ne, %rem3A_471, %ne3A_472 : i32
        %lt3A_474 = arith.constant 0 : i32
        %lt3A_475 = arith.cmpi slt, %rem3A_471, %lt3A_474 : i32
        %lt3A_476 = arith.constant 0 : i32
        %lt3A_477 = arith.cmpi slt, %select_n3A_470, %lt3A_476 : i32
        %ne3A_478 = arith.xori %lt3A_475, %lt3A_477 : i1
        %and3A_479 = arith.andi %ne3A_478, %ne3A_473 : i1
        %add3A_480 = arith.addi %rem3A_471, %select_n3A_470 : i32
        %select_n3A_481 = arith.select %and3A_479, %add3A_480, %rem3A_471 : i32
        %mul3A_482 = arith.constant 16 : i32
        %mul3A_483 = arith.muli %select_n3A_481, %mul3A_482 : i32
        %multiple_of3A_484 = tpu.assume_multiple %mul3A_483, 16 : i32
        %add3A_485 = arith.addi %multiple_of3A, %multiple_of3A_465 : i32
        %dma_start3A_486 = arith.constant 0 : i32
        %dma_start3A_487 = tpu.memref_slice %arg11[%dma_start3A_486, %add3A_485] : memref<1x1024xi32, #tpu.memory_space<vmem>> -> memref<1x8xi32, #tpu.memory_space<vmem>>
        %dma_start3A_488 = tpu.memref_squeeze %dma_start3A_487 : memref<1x8xi32, #tpu.memory_space<vmem>> -> memref<8xi32, #tpu.memory_space<vmem>>
        %dma_start3A_489 = arith.constant 0 : i32
        %dma_start3A_490 = arith.constant 0 : i32
        %dma_start3A_491 = tpu.memref_slice %arg5[%dma_start3A_489, %multiple_of3A_484, %dma_start3A_490] : memref<1024x256x256xf32, #tpu.memory_space<hbm>> -> memref<1024x16x256xf32, #tpu.memory_space<hbm>>
        tpu.enqueue_indirect_dma source(%dma_start3A_491 : memref<1024x16x256xf32, #tpu.memory_space<hbm>>) target(%arg14 : memref<8x16x256xf32, #tpu.memory_space<vmem>>) offsets(%dma_start3A_488 : memref<8xi32, #tpu.memory_space<vmem>>) semaphore(%arg18 : memref<!tpu.dma_semaphore, #tpu.memory_space<semaphore_mem>>)
      } else {
      }
    }
    %scan3A_47 = arith.constant 21 : i32
    %multiple_of3A_48 = arith.constant 24 : i32
    %multiple_of3A_49 = tpu.assume_multiple %multiple_of3A_48, 8 : i32
    %multiple_of3A_50 = arith.constant 240 : i32
    %multiple_of3A_51 = tpu.assume_multiple %multiple_of3A_50, 16 : i32
    %add3A_52 = arith.addi %multiple_of3A, %multiple_of3A_49 : i32
    %dma_wait3A_53 = arith.constant 0 : i32
    %dma_wait3A_54 = tpu.memref_slice %arg11[%dma_wait3A_53, %add3A_52] : memref<1x1024xi32, #tpu.memory_space<vmem>> -> memref<1x8xi32, #tpu.memory_space<vmem>>
    %dma_wait3A_55 = tpu.memref_squeeze %dma_wait3A_54 : memref<1x8xi32, #tpu.memory_space<vmem>> -> memref<8xi32, #tpu.memory_space<vmem>>
    %dma_wait3A_56 = arith.constant 0 : i32
    %dma_wait3A_57 = arith.constant 0 : i32
    %dma_wait3A_58 = tpu.memref_slice %arg5[%dma_wait3A_56, %multiple_of3A_51, %dma_wait3A_57] : memref<1024x256x256xf32, #tpu.memory_space<hbm>> -> memref<1024x16x256xf32, #tpu.memory_space<hbm>>
    tpu.wait_indirect_dma semaphore(%arg17 : memref<!tpu.dma_semaphore, #tpu.memory_space<semaphore_mem>>) src(%dma_wait3A_58 : memref<1024x16x256xf32, #tpu.memory_space<hbm>>) dst(%arg13 : memref<8x16x256xf32, #tpu.memory_space<vmem>>)
    %multiple_of3A_59 = arith.constant 24 : i32
    %multiple_of3A_60 = tpu.assume_multiple %multiple_of3A_59, 8 : i32
    %multiple_of3A_61 = arith.constant 240 : i32
    %multiple_of3A_62 = tpu.assume_multiple %multiple_of3A_61, 16 : i32
    %add3A_63 = arith.addi %multiple_of3A, %multiple_of3A_60 : i32
    %dma_start3A_64 = arith.constant 0 : i32
    %dma_start3A_65 = tpu.memref_slice %arg7[%add3A_63, %multiple_of3A_62, %dma_start3A_64] : memref<1024x256x256xf32, #tpu.memory_space<hbm>> -> memref<8x16x256xf32, #tpu.memory_space<hbm>>
    %dma_start3A_66 = arith.constant 0 : i32
    %dma_start3A_67 = tpu.memref_slice %arg7[%add3A_63, %multiple_of3A_62, %dma_start3A_66] : memref<1024x256x256xf32, #tpu.memory_space<hbm>> -> memref<8x16x256xf32, #tpu.memory_space<hbm>>
    tpu.enqueue_dma source(%arg13 : memref<8x16x256xf32, #tpu.memory_space<vmem>>) target(%dma_start3A_67 : memref<8x16x256xf32, #tpu.memory_space<hbm>>) target_semaphore(%arg20 : memref<!tpu.dma_semaphore, #tpu.memory_space<semaphore_mem>>)
    %dma_wait3A_68 = arith.constant 0 : i32
    %dma_wait3A_69 = tpu.memref_slice %arg11[%dma_wait3A_68, %multiple_of3A] : memref<1x1024xi32, #tpu.memory_space<vmem>> -> memref<1x32xi32, #tpu.memory_space<vmem>>
    %dma_wait3A_70 = tpu.memref_squeeze %dma_wait3A_69 : memref<1x32xi32, #tpu.memory_space<vmem>> -> memref<32xi32, #tpu.memory_space<vmem>>
    %dma_wait3A_71 = arith.constant 0 : i32
    %dma_wait3A_72 = arith.constant 0 : i32
    %dma_wait3A_73 = tpu.memref_slice %arg6[%dma_wait3A_71, %dma_wait3A_72] : memref<1024x256xf32, #tpu.memory_space<hbm>> -> memref<1024x256xf32, #tpu.memory_space<hbm>>
    tpu.wait_indirect_dma semaphore(%arg16 : memref<!tpu.dma_semaphore, #tpu.memory_space<semaphore_mem>>) src(%dma_wait3A_73 : memref<1024x256xf32, #tpu.memory_space<hbm>>) dst(%arg12 : memref<32x256xf32, #tpu.memory_space<vmem>>)
    "tpu.region"() ({
      %run_scoped3A = tpu.sem_alloc : memref<!tpu.dma_semaphore, #tpu.memory_space<semaphore_mem>>
      %dma_start3A_101 = arith.constant 0 : i32
      %dma_start3A_102 = tpu.memref_slice %arg8[%multiple_of3A, %dma_start3A_101] : memref<1024x256xf32, #tpu.memory_space<hbm>> -> memref<32x256xf32, #tpu.memory_space<hbm>>
      %dma_start3A_103 = arith.constant 0 : i32
      %dma_start3A_104 = tpu.memref_slice %arg8[%multiple_of3A, %dma_start3A_103] : memref<1024x256xf32, #tpu.memory_space<hbm>> -> memref<32x256xf32, #tpu.memory_space<hbm>>
      tpu.enqueue_dma source(%arg12 : memref<32x256xf32, #tpu.memory_space<vmem>>) target(%dma_start3A_104 : memref<32x256xf32, #tpu.memory_space<hbm>>) target_semaphore(%run_scoped3A : memref<!tpu.dma_semaphore, #tpu.memory_space<semaphore_mem>>)
      %dma_wait3A_105 = arith.constant 0 : i32
      %dma_wait3A_106 = tpu.memref_slice %arg8[%multiple_of3A, %dma_wait3A_105] : memref<1024x256xf32, #tpu.memory_space<hbm>> -> memref<32x256xf32, #tpu.memory_space<hbm>>
      %dma_wait3A_107 = arith.constant 0 : i32
      %dma_wait3A_108 = tpu.memref_slice %arg8[%multiple_of3A, %dma_wait3A_107] : memref<1024x256xf32, #tpu.memory_space<hbm>> -> memref<32x256xf32, #tpu.memory_space<hbm>>
      tpu.wait_dma2 semaphore(%run_scoped3A : memref<!tpu.dma_semaphore, #tpu.memory_space<semaphore_mem>>) src(%arg12 : memref<32x256xf32, #tpu.memory_space<vmem>>) dst(%dma_wait3A_108 : memref<32x256xf32, #tpu.memory_space<hbm>>)
      tpu.yield
    }) : () -> ()
    %multiple_of3A_74 = arith.constant 24 : i32
    %multiple_of3A_75 = tpu.assume_multiple %multiple_of3A_74, 8 : i32
    %multiple_of3A_76 = arith.constant 208 : i32
    %multiple_of3A_77 = tpu.assume_multiple %multiple_of3A_76, 16 : i32
    %add3A_78 = arith.addi %multiple_of3A, %multiple_of3A_75 : i32
    %dma_wait3A_79 = arith.constant 0 : i32
    %dma_wait3A_80 = tpu.memref_slice %arg7[%add3A_78, %multiple_of3A_77, %dma_wait3A_79] : memref<1024x256x256xf32, #tpu.memory_space<hbm>> -> memref<8x16x256xf32, #tpu.memory_space<hbm>>
    %dma_wait3A_81 = arith.constant 0 : i32
    %dma_wait3A_82 = tpu.memref_slice %arg7[%add3A_78, %multiple_of3A_77, %dma_wait3A_81] : memref<1024x256x256xf32, #tpu.memory_space<hbm>> -> memref<8x16x256xf32, #tpu.memory_space<hbm>>
    tpu.wait_dma2 semaphore(%arg21 : memref<!tpu.dma_semaphore, #tpu.memory_space<semaphore_mem>>) src(%arg14 : memref<8x16x256xf32, #tpu.memory_space<vmem>>) dst(%dma_wait3A_82 : memref<8x16x256xf32, #tpu.memory_space<hbm>>)
    %multiple_of3A_83 = arith.constant 24 : i32
    %multiple_of3A_84 = tpu.assume_multiple %multiple_of3A_83, 8 : i32
    %multiple_of3A_85 = arith.constant 224 : i32
    %multiple_of3A_86 = tpu.assume_multiple %multiple_of3A_85, 16 : i32
    %add3A_87 = arith.addi %multiple_of3A, %multiple_of3A_84 : i32
    %dma_wait3A_88 = arith.constant 0 : i32
    %dma_wait3A_89 = tpu.memref_slice %arg7[%add3A_87, %multiple_of3A_86, %dma_wait3A_88] : memref<1024x256x256xf32, #tpu.memory_space<hbm>> -> memref<8x16x256xf32, #tpu.memory_space<hbm>>
    %dma_wait3A_90 = arith.constant 0 : i32
    %dma_wait3A_91 = tpu.memref_slice %arg7[%add3A_87, %multiple_of3A_86, %dma_wait3A_90] : memref<1024x256x256xf32, #tpu.memory_space<hbm>> -> memref<8x16x256xf32, #tpu.memory_space<hbm>>
    tpu.wait_dma2 semaphore(%arg22 : memref<!tpu.dma_semaphore, #tpu.memory_space<semaphore_mem>>) src(%arg15 : memref<8x16x256xf32, #tpu.memory_space<vmem>>) dst(%dma_wait3A_91 : memref<8x16x256xf32, #tpu.memory_space<hbm>>)
    %multiple_of3A_92 = arith.constant 24 : i32
    %multiple_of3A_93 = tpu.assume_multiple %multiple_of3A_92, 8 : i32
    %multiple_of3A_94 = arith.constant 240 : i32
    %multiple_of3A_95 = tpu.assume_multiple %multiple_of3A_94, 16 : i32
    %add3A_96 = arith.addi %multiple_of3A, %multiple_of3A_93 : i32
    %dma_wait3A_97 = arith.constant 0 : i32
    %dma_wait3A_98 = tpu.memref_slice %arg7[%add3A_96, %multiple_of3A_95, %dma_wait3A_97] : memref<1024x256x256xf32, #tpu.memory_space<hbm>> -> memref<8x16x256xf32, #tpu.memory_space<hbm>>
    %dma_wait3A_99 = arith.constant 0 : i32
    %dma_wait3A_100 = tpu.memref_slice %arg7[%add3A_96, %multiple_of3A_95, %dma_wait3A_99] : memref<1024x256x256xf32, #tpu.memory_space<hbm>> -> memref<8x16x256xf32, #tpu.memory_space<hbm>>
    tpu.wait_dma2 semaphore(%arg20 : memref<!tpu.dma_semaphore, #tpu.memory_space<semaphore_mem>>) src(%arg13 : memref<8x16x256xf32, #tpu.memory_space<vmem>>) dst(%dma_wait3A_100 : memref<8x16x256xf32, #tpu.memory_space<hbm>>)
    return
  }
}

</mosaic_0001>

<sc_bundles>
// kernel: kernel.3.cloned.1.call-start
scs
__scs_entry_jumppad:
0x0: {  	(pc) =	sbr.rel $0x88, $3  }
0x1: {  	(tag) =	ssettag $0x0;
	lr =	simm.s32 $0x1  }
0x2: {  	[smem:$0x3F9C] =	sst lr;
	_ =	strace $0xD0000000  }
0x3: {  	_ = 	snop  }
0x4: {  	_ = 	snop  }
0x5: {  	_ = 	snop  }
0x6: {  	_ = 	snop  }
0x7: {  	_ = 	snop  }
__scs_overlays_trampoline_lowered:
0x8: {  	[smem:$0x3FAB] =	sst s0  }
0x9: {  	[smem:$0x3FAC] =	sst s1  }
0xa: {  	[smem:$0x3FAD] =	sst s2  }
0xb: {  	[smem:$0x3FAE] =	sst s3  }
0xc: {  	[smem:$0x3FAF] =	sst s4  }
0xd: {  	[smem:$0x3FB0] =	sst s5  }
0xe: {  	[smem:$0x3FB1] =	sst s6  }
0xf: {  	[smem:$0x3FB2] =	sst s7  }
0x10: {  	[smem:$0x3FB3] =	sst s8  }
0x11: {  	[smem:$0x3FB4] =	sst s9;
	s0 =	simm.s32 @!p0 $0x0  }
0x12: {  	s1 =	sld [smem:$0x3F9A];
	s0 =	simm.s32 @p0 $0x1  }
0x13: {  	[smem:$0x3FB5] =	sst s0;
	s0 =	simm.s32 @!p1 $0x0  }
0x14: {  	s2 =	sld [smem:$0x3F99];
	s0 =	simm.s32 @p1 $0x1  }
0x15: {  	[smem:$0x3FB6] =	sst s0;
	s0 =	simm.s32 @!p2 $0x0  }
0x16: {  	s3 =	sld [smem:$0x3FDB];
	s0 =	simm.s32 @p2 $0x1  }
0x17: {  	s4 =	simm.s32 $0x1BF5;
	[smem:$0x3FB8] =	sst s0  }
0x18: {  	s0 =	sld [smem:$0x3F9B];
	_ =	swait.ge [sflag:s4], $0x0  }
0x19: {  	s7 =	sld [smem:$0x3F9C]  }
0x1a: {  	s8 =	sadd.s32 $0xFFFFE003, lr  }
0x1b: {  	s9 =	sadd.s32 $0xFFFFFEF7, lr;
	s5 =	simm.s32 $0xFFFFFFFF;
	p2 =	slt.u32 s8, $0xFFFFF086  }
0x1c: {  	p1 =	slt.u32 s9, $0xF7A;
	s5 =	simm.s32 @!p2 $0x0  }
0x1d: {  	s5 =	simm.s32 @p1 $0x1;
	p0 =	seq.s32 s7, s2  }
0x1e: {  	s7 =	smul.u32 @!p0 $0xF7A, s2;
	p2 =	seq.s32 @!p0 s5, $0x0  }
0x1f: {  	s9 =	smul.u32 $0xF7A, s1;
	s8 =	simm.s32 @!p0 $0x1BF5;
	p2 =	por !p2, p0  }
0x20: {  	[sflag:s8] =	ssyncset.s32 @!p0 $0xFFFFF086;
	s6 =	sadd.s32 @!p0 s3, s7;
	s7 =	simm.s32 @!p0 $0x108  }
0x21: {  	s3 =	sadd.s32 s3, s9;
	s6 =	sadd.s32 @!p0 $0x88, s6;
	s7 =	simm.s32 @p2 $0x1082  }
0x22: {  	[simem:s7], [sflag:s8] =	dma.local @!p0 [hbm:s6], $0xF7A  }
0x23: {  	s9 =	sor.u32 $0xD0000000, s2;
	s6 =	simm.s32 $0x108;
	_ =	swait.ge @!p0 [sflag:s8], $0x0  }
0x24: {  	s3 =	sadd.s32 $0x88, s3;
	s6 =	simm.s32 @!p1 $0x1082;
	[sflag:s4] =	ssyncset.s32 $0xFFFFF086  }
0x25: {  	[simem:s6], [sflag:s4] =	dma.local [hbm:s3], $0xF7A  }
0x26: {  	[smem:$0x3F9C] =	sst s1;
	(tag) =	ssettag s2;
	_ =	strace s9  }
0x27: {  	s1 =	sld [smem:$0x3FAC]  }
0x28: {  	s2 =	sld [smem:$0x3FAD]  }
0x29: {  	s4 =	sld [smem:$0x3FAF]  }
0x2a: {  	p0 =	seq.s32 s5, $0x0;
	s5 =	sld [smem:$0x3FB0]  }
0x2b: {  	s6 =	sld [smem:$0x3FB1]  }
0x2c: {  	s7 =	sld [smem:$0x3FB2]  }
0x2d: {  	s3 =	simm.s32 $0x108;
	s8 =	sld [smem:$0x3FB3]  }
0x2e: {  	s3 =	simm.s32 @!p0 $0x1082;
	s9 =	sld [smem:$0x3FB4]  }
0x2f: {  	lr =	sadd.s32 s0, s3;
	s0 =	sld [smem:$0x3FAB]  }
0x30: {  	s3 =	sld [smem:$0x3FAE]  }
0x31: {  	[smem:$0x3FB7] =	sst s10  }
0x32: {  	s10 =	sld [smem:$0x3FB5];
	_ =	sdelay $0x3  }
0x33: {  	p0 =	seq.s32 s10, $0x1;
	s10 =	sld [smem:$0x3FB7];
	_ =	sdelay $0x3  }
0x34: {  	[smem:$0x3FB7] =	sst s10  }
0x35: {  	s10 =	sld [smem:$0x3FB6];
	_ =	sdelay $0x3  }
0x36: {  	p1 =	seq.s32 s10, $0x1;
	s10 =	sld [smem:$0x3FB7];
	_ =	sdelay $0x3  }
0x37: {  	[smem:$0x3FB7] =	sst s10  }
0x38: {  	s10 =	sld [smem:$0x3FB8]  }
0x39: {  	_ = 	snop;
	(pc) =	sbr.ind lr, $3  }
0x3a: {  	_ = 	snop  }
0x3b: {  	_ = 	snop  }
0x3c: {  	p2 =	seq.s32 s10, $0x1;
	s10 =	sld [smem:$0x3FB7]  }
0x3d: {  	_ =	shalt  }
0x3e: {  	_ =	shalt  }
0x3f: {  	_ =	shalt  }
0x40: {  	_ =	shalt  }
0x41: {  	_ =	shalt  }
0x42: {  	_ =	shalt  }
0x43: {  	_ =	shalt  }
0x44: {  	_ =	shalt  }
0x45: {  	_ =	shalt  }
0x46: {  	_ =	shalt  }
0x47: {  	_ =	shalt  }
0x48: {  	_ =	shalt  }
0x49: {  	_ =	shalt  }
0x4a: {  	_ =	shalt  }
0x4b: {  	_ =	shalt  }
0x4c: {  	_ =	shalt  }
0x4d: {  	_ =	shalt  }
0x4e: {  	_ =	shalt  }
0x4f: {  	_ =	shalt  }
0x50: {  	_ =	shalt  }
0x51: {  	_ =	shalt  }
0x52: {  	_ =	shalt  }
0x53: {  	_ =	shalt  }
0x54: {  	_ =	shalt  }
0x55: {  	_ =	shalt  }
0x56: {  	_ =	shalt  }
0x57: {  	_ =	shalt  }
0x58: {  	_ =	shalt  }
0x59: {  	_ =	shalt  }
0x5a: {  	_ =	shalt  }
0x5b: {  	_ =	shalt  }
0x5c: {  	_ =	shalt  }
0x5d: {  	_ =	shalt  }
0x5e: {  	_ =	shalt  }
0x5f: {  	_ =	shalt  }
0x60: {  	_ =	shalt  }
0x61: {  	_ =	shalt  }
0x62: {  	_ =	shalt  }
0x63: {  	_ =	shalt  }
0x64: {  	_ =	shalt  }
0x65: {  	_ =	shalt  }
0x66: {  	_ =	shalt  }
0x67: {  	_ =	shalt  }
0x68: {  	_ =	shalt  }
0x69: {  	_ =	shalt  }
0x6a: {  	_ =	shalt  }
0x6b: {  	_ =	shalt  }
0x6c: {  	_ =	shalt  }
0x6d: {  	_ =	shalt  }
0x6e: {  	_ =	shalt  }
0x6f: {  	_ =	shalt  }
0x70: {  	_ =	shalt  }
0x71: {  	_ =	shalt  }
0x72: {  	_ =	shalt  }
0x73: {  	_ =	shalt  }
0x74: {  	_ =	shalt  }
0x75: {  	_ =	shalt  }
0x76: {  	_ =	shalt  }
0x77: {  	_ =	shalt  }
0x78: {  	_ =	shalt  }
0x79: {  	_ =	shalt  }
0x7a: {  	_ =	shalt  }
0x7b: {  	_ =	shalt  }
0x7c: {  	_ =	shalt  }
0x7d: {  	_ =	shalt  }
0x7e: {  	_ =	shalt  }
0x7f: {  	_ =	shalt  }
0x80: {  	_ =	shalt  }
0x81: {  	_ =	shalt  }
0x82: {  	_ =	shalt  }
0x83: {  	_ =	shalt  }
0x84: {  	_ =	shalt  }
0x85: {  	_ =	shalt  }
0x86: {  	_ =	shalt  }
0x87: {  	_ =	shalt  }
.Lfunc_end0:
.L_simem_size_0:
called_computation_lowered:
.L_overlay_start_0:
0x88: {  	s2 =	sld [smem:$0x3FD9]  }
0x89: {  	s3 =	sld [smem:$0x3FFE];
	_ =	sdelay $0x1  }
0x8a: {  	s1 =	srdreg.scid  }
0x8b: {  	s0 =	sand.u32 $0x1, s1  }
0x8c: {  	s14 =	sshll.u32 s0, $0xA;
	s2 =	sadd.s32 s3, s2  }
0x8d: {  	s2 =	sadd.s32 s2, s14  }
0x8e: {  	[smem:$0x3FC3] =	sst s2  }
0x8f: {  	_ = 	snop  }
0x90: {  	s2 =	sld [smem:$0x3FC8]  }
0x91: {  	s15 =	sld [smem:$0x3FD0]  }
0x92: {  	s4 =	sld [smem:$0x3FC7]  }
0x93: {  	s5 =	sld [smem:$0x3FC6]  }
0x94: {  	s7 =	simm.s32 $0xA;
	s8 =	simm.s32 $0x10;
	s6 =	sld [smem:$0x3FC5]  }
0x95: {  	[smem:s8], [sflag:s7] =	dma.local [hbm:s15], $0x1  }
0x96: {  	_ =	swait.eq [sflag:s7], $0x1  }
0x97: {  	[sflag:s7] =	ssyncset.done $0x0  }
0x98: {  	s16 =	sld [smem:$0x10];
	[sflag:s7] =	ssyncadd.s32 $0xFFFFFFFF  }
0x99: {  	s17 =	sld [smem:$0x11];
	(tm) =	ssettm $0x1  }
0x9a: {  	s18 =	sld [smem:$0x3FFB];
	_ =	sdelay $0x3  }
0x9b: {  	_ =	strace s18  }
0x9c: {  	s8 =	sld [smem:$0x3FFC];
	_ =	sdelay $0x3  }
0x9d: {  	_ =	strace s8  }
0x9e: {  	s8 =	sld [smem:$0x3FFD];
	_ =	sdelay $0x3  }
0x9f: {  	_ =	strace s8  }
0xa0: {  	_ =	strace $0x8FFFFFFF  }
0xa1: {  	s19 =	sld [smem:$0x3FDB];
	_ =	sdelay $0x1  }
0xa2: {  	s9 =	simm.s32 $_scs_section_size  }
0xa3: {  	s10 =	simm.s32 $_size__tile_overlayer_lowered;
	s11 =	simm.s32 $_tile_overlayer_lowered  }
0xa4: {  	s22 =	simm.s32 $0x1BFF;
	s21 =	sshll.u32 s11, $0x1;
	s8 =	sadd.s32 s9, s19  }
0xa5: {  	s12 =	simm.s32 $0x0;
	s20 =	sshll.u32 s10, $0x1;
	s10 =	sadd.s32 s21, s8  }
0xa6: {  	[timem:s12], [sflag:s22] =	dma.local [hbm:s10], s20  }
0xa7: {  	_ =	swait.ge [sflag:s22], s20  }
0xa8: {  	s9 =	ssub.s32 $0x0, s20;
	[sflag:s22] =	ssyncset.done $0x0  }
0xa9: {  	[sflag:s22] =	ssyncadd.s32 s9;
	_ =	sdelay $0x1  }
0xaa: {  	s23 =	simm.s32 $0x1B8B  }
0xab: {  	_ =	swait.ge [sflag:s23], $0x1  }
0xac: {  	[sflag:s23] =	ssyncset.done $0x0  }
0xad: {  	s25 =	simm.s32 $0x1B8E;
	s24 =	sld [smem:$0x3FFE];
	[sflag:s23] =	ssyncadd.s32 $0xFFFFFFFF  }
0xae: {  	s26 =	simm.s32 $execute0_lowered;
	[smem:$0x3FD2] =	sst s25  }
0xaf: {  	s10 =	sshll.u32 s26, $0x1;
	_ =	strace $0x80000046;
	[dreg:$0x1] =	wrdreg $0xFFFFFFFF  }
0xb0: {  	s28 =	simm.s32 $_size_execute0_lowered;
	s8 =	sadd.s32 s8, s10;
	[dreg:$0x0] =	wrdreg $0x0  }
0xb1: {  	s10 =	sshll.u32 s28, $0x1;
	[dreg:$0x2] =	wrdreg s8  }
0xb2: {  	[dreg:$0x3] =	wrdreg s10  }
0xb3: {  	[dreg:$0x4] =	wrdreg $0xC0  }
0xb4: {  	_ =	task [dreg:s12], $0x5FFFF  }
0xb5: {  	[dreg:$0x1] =	wrdreg $0xFFFFFFFF  }
0xb6: {  	[dreg:$0x0] =	wrdreg $0x60  }
0xb7: {  	[dreg:$0x2] =	wrdreg s24  }
0xb8: {  	[dreg:$0x3] =	wrdreg s6  }
0xb9: {  	[dreg:$0x4] =	wrdreg s2  }
0xba: {  	[dreg:$0x5] =	wrdreg s4  }
0xbb: {  	[dreg:$0x6] =	wrdreg s5  }
0xbc: {  	[dreg:$0x7] =	wrdreg s16  }
0xbd: {  	[dreg:$0x8] =	wrdreg s17  }
0xbe: {  	[dreg:$0x9] =	wrdreg $0x9  }
0xbf: {  	_ =	task.clear_ibuf [dreg:s12], $0xAFFFF;
	_ =	strace $0x90000046  }
0xc0: {  	s29 =	simm.s32 $0x9;
	_ =	strace $0x80000048  }
0xc1: {  	_ =	swait.ge [sflag:s29], $0x1  }
0xc2: {  	[sflag:s29] =	ssyncadd.s32 $0xFFFFFFFF  }
0xc3: {  	_ =	strace $0x90000048  }
0xc4: {  	_ =	sfence  }
0xc5: {  	s30 =	sld [smem:$0x0];
	_ =	sdelay $0x2  }
0xc6: {  	s31 =	sshll.u32 s1, $0xD;
	s1 =	sshrl.u32 s1, $0x2  }
0xc7: {  	s3 =	sand.u32 $0x4000, s31;
	s1 =	sadd.s32 s1, s30  }
0xc8: {  	s0 =	sor.u32 s3, s0;
	s1 =	sshll.u32 s1, $0x11  }
0xc9: {  	s0 =	sor.u32 s1, s0  }
0xca: {  	s0 =	sadd.s32 $0x8F2B, s0  }
0xcb: {  	[sflag:s0] =	ssyncadd.remote.s32 $0x1  }
0xcc: {  	_ =	sfence.sel $0xFFFF  }
0xcd: {  	[dreg:$0x0] =	wrdreg $0xFFFFFFFF;
	(pc) =	sbr.abs _section_cstart, $3  }
0xce: {  	[dreg:$0x1] =	wrdreg $0xFFFFFFFF  }
0xcf: {  	_ =	task.clear_ibuf [dreg:s12], $0x2FFFF;
	_ =	strace $0x9FFFFFFF  }
0xd0: {  	(tm) =	ssettm $0x7FFFFFFF  }
0xd1: {  	_ =	shalt  }
tec
execute0_lowered:
.L_overlay_start_1:
0x0: {  	(tag) =	ssettag $0x1  }
0x1: {  	s0 =	rddreg [dreg:$0x0]  }
0x2: {  	s3 =	rddreg [dreg:$0x3]  }
0x3: {  	s4 =	rddreg [dreg:$0x4]  }
0x4: {  	s5 =	rddreg [dreg:$0x5]  }
0x5: {  	s1 =	rddreg [dreg:$0x6];
	s6 =	simm.s32 $0x0;
	s2 =	srdreg.scid  }
0x6: {  	s8 =	stileid.u32;
	s18 =	simm.s32 $0x1;
	s20 =	simm.s32 $0x500  }
0x7: {  	s28 =	simm.s32 $0x1000;
	s29 =	simm.s32 $0x10000;
	s30 =	simm.s32 $0x12500  }
0x8: {  	s31 =	simm.s32 $0x3;
	s16 =	simm.s32 $0x7;
	s17 =	simm.s32 $0x0  }
0x9: {  	[smem:$0x7FF] =	sst s6;
	s2 =	sand.u32 $0x1, s2;
	s10 =	sshll.u32 s8, $0x6  }
0xa: {  	s0 =	sadd.s32 $0x600, s0;
	s23 =	sadd.s32 $0x200, s3;
	_ =	strace $0x80000047  }
0xb: {  	s7 =	ssub.s32 $0x2, s2;
	s2 =	sshll.u32 s2, $0x5;
	[dreg:$0x8] =	wrdreg s0  }
0xc: {  	[dreg:$0x9] =	wrdreg s23;
	s0 =	simm.s32 $0x5;
	s9 =	sshrl.u32 s7, $0x1  }
0xd: {  	s22 =	ssub.s32 s7, s9;
	s9 =	sor.u32 s2, s10;
	s7 =	simm.s32 $0x4  }
.Ltmp0:
0xe: {  	s2 =	sadd.s32 $0x100, s9;
	s24 =	sshll.u32 s9, $0xD;
	(pc) =	sbr.rel .LBB2_1-.Ltmp0, $4  }
0xf: {  	v0 =	vlaneseq.u32;
	s11 =	sshll.u32 s9, $0x10;
	s25 =	sshll.u32 s9, $0x5;
	s15 =	smax.u32 s22, $0x1  }
0x10: {  	v2 =	vimm.s32 $0x0;
	vm0 =	vmmov $0xff;
	vm1 =	vmmov $0xffff;
	s12 =	sadd.s32 s5, s24;
	s14 =	sadd.s32 s1, s25;
	s24 =	simm.s32 $0x2500  }
0x11: {  	v3 =	vmul.u32 $0x4, v0;
	v4 =	vand.u32 $0x7, v0;
	v5 =	vshrl.u32 v0, $0x3;
	s25 =	simm.s32 $0xA500;
	s1 =	simm.s32 $0x8;
	s26 =	sadd.s32 $0x31E00, s12  }
0x12: {  	v6 =	vor.u32 $0x8, v0;
	v5 =	vmul.u32 $0x8, v5;
	v1 =	vmov s2;
	s2 =	simm.s32 $0x6;
	[dreg:$0xa] =	wrdreg s26;
	s26 =	simm.s32 $0x2  }
.LBB2_4:
0x13: {  	_ =	swait.ge [sflag:s26], $0x8000  }
0x14: {  	[sflag:s26] =	ssyncset.done $0x0  }
0x15: {  	s8 =	rddreg [dreg:$0xa];
	[sflag:s26] =	ssyncadd.s32 $0xFFFF8000  }
0x16: {  	[hbm4b:s8+s28] =	stream.strided.scatter [tilespmem:s24], [sflag:$0x5], $0x8000, s29, s28, $0x38;
	[tilespmem:$0x1A500] =	vst v63  }
0x17: {  	_ =	swait.ge [sflag:s18], $0x2000  }
0x18: {  	[sflag:s18] =	ssyncset.done $0x0  }
0x19: {  	[sflag:s18] =	ssyncadd.s32 $0xFFFFE000  }
0x1a: {  	[hbm4b:s14+s6] =	stream.linear.scatter [tilespmem:s20], [sflag:$0x8], $0x2000, $0x38;
	[tilespmem:$0x1A500] =	vst v63  }
0x1b: {  	_ =	swait.ge [sflag:s1], $0x2000  }
0x1c: {  	[sflag:s1] =	ssyncset.done $0x0  }
0x1d: {  	[sflag:s1] =	ssyncadd.s32 $0xFFFFE000  }
0x1e: {  	_ =	swait.ge [sflag:s2], $0x8000  }
0x1f: {  	[sflag:s2] =	ssyncset.done $0x0  }
0x20: {  	s17 =	sadd.s32 $0x1, s17;
	[sflag:s2] =	ssyncadd.s32 $0xFFFF8000  }
0x21: {  	p0 =	sne.s32 s17, s15;
	_ =	swait.ge [sflag:s16], $0x8000  }
.Ltmp1:
0x22: {  	[sflag:s16] =	ssyncset.done $0x0;
	(pc) =	sbr.rel @!p0 .LBB2_5-.Ltmp1, $4  }
0x23: {  	[sflag:s16] =	ssyncadd.s32 $0xFFFF8000  }
0x24: {  	_ =	swait.ge [sflag:s0], $0x8000  }
0x25: {  	[sflag:s0] =	ssyncset.done $0x0  }
0x26: {  	[sflag:s0] =	ssyncadd.s32 $0xFFFF8000  }
.LBB2_1:
0x27: {  	s8 =	rddreg [dreg:$0x8]  }
0x28: {  	[tilespmem:s6], [sflag:$0x8] =	stream.linear.gather [hbm4b:s8+s6], $0x80, $0x38;
	[tilespmem:$0x1A500] =	vst v63  }
0x29: {  	_ =	swait.ge [sflag:s1], $0x80  }
0x2a: {  	[sflag:s1] =	ssyncset.done $0x0  }
0x2b: {  	[sflag:s1] =	ssyncadd.s32 $0xFFFFFF80  }
0x2c: {  	s10 =	simm.s32 $0x10;
	s13 =	simm.s32 $0x80;
	s23 =	rddreg [dreg:$0x1]  }
0x2d: {  	[tilespmem:s13], [sflag:$0x1] =	stream.indirect.gather [hbm4b:s23+s10], $0x1, s6, s10, $0xb8;
	[tilespmem:$0x1A500] =	vst v63  }
0x2e: {  	_ =	swait.ge [sflag:s18], $0x10  }
0x2f: {  	[sflag:s18] =	ssyncset.done $0x0  }
0x30: {  	[sflag:s18] =	ssyncadd.s32 $0xFFFFFFF0  }
0x31: {  	v7 =	vld.msk [tilespmem:$0x80], $0x1;
	_ =	sdelay $0x4  }
0x32: {  	v8 =	vshll.u32 v7, $0x3  }
0x33: {  	v7 =	vand.u32 $0x3, v7;
	v8 =	vand.u32 $0xFFFFFFE0, v8  }
0x34: {  	v7 =	vor.u32 v7, v8  }
0x35: {  	v7 =	vperm.xlane v7, v2;
	_ =	sdelay $0x1  }
0x36: {  	v7 =	vadd.s32 v3, v7;
	_ =	sdelay $0x3  }
0x37: {  	s13 =	simm.s32 $0x100;
	s10 =	rddreg [dreg:$0x2]  }
0x38: {  	[tilespmem:s13], [sflag:$0x1] =	stream.indirect_vreg.gather [hbm4b:s10+s6], $0x80, v7, vm0, $0xb8;
	[tilespmem:$0x1A500] =	vst v63  }
0x39: {  	_ =	swait.ge [sflag:s18], $0x400  }
0x3a: {  	[sflag:s18] =	ssyncset.done $0x0  }
0x3b: {  	[sflag:s18] =	ssyncadd.s32 $0xFFFFFC00  }
0x3c: {  	v7 =	vld [tilespmem:s9+$0x100];
	_ =	sdelay $0x4  }
0x3d: {  	v8 =	vshll.u32 v7, $0x1  }
0x3e: {  	v7 =	vand.u32 $0x7, v7;
	v8 =	vand.u32 $0xFFFFFFF0, v8  }
0x3f: {  	v7 =	vor.u32 v7, v8  }
0x40: {  	v8 =	vperm.xlane v7, v4;
	_ =	sdelay $0x1  }
0x41: {  	v7 =	vperm.xlane v7, v6;
	v8 =	vadd.s32 v5, v8;
	_ =	sdelay $0x1  }
0x42: {  	v7 =	vadd.s32 v5, v7;
	_ =	sdelay $0x2  }
0x43: {  	[tilespmem:s20], [sflag:$0x1] =	stream.indirect_vreg.gather [hbm4b:s4+s6], $0x80, v8, vm1, $0xb8;
	[tilespmem:$0x1A500] =	vst v63  }
0x44: {  	s19 =	simm.s32 $0xD00  }
0x45: {  	[tilespmem:s19], [sflag:$0x1] =	stream.indirect_vreg.gather [hbm4b:s4+s6], $0x80, v7, vm1, $0xb8;
	[tilespmem:$0x1A500] =	vst v63  }
0x46: {  	v7 =	vld [tilespmem:s9+$0x110];
	_ =	sdelay $0x4  }
0x47: {  	v8 =	vshll.u32 v7, $0x1  }
0x48: {  	v7 =	vand.u32 $0x7, v7;
	v8 =	vand.u32 $0xFFFFFFF0, v8  }
0x49: {  	v7 =	vor.u32 v7, v8  }
0x4a: {  	v8 =	vperm.xlane v7, v4;
	_ =	sdelay $0x1  }
0x4b: {  	v7 =	vperm.xlane v7, v6;
	v8 =	vadd.s32 v5, v8;
	_ =	sdelay $0x1  }
0x4c: {  	v7 =	vadd.s32 v5, v7;
	_ =	sdelay $0x1  }
0x4d: {  	s21 =	simm.s32 $0x1500  }
0x4e: {  	[tilespmem:s21], [sflag:$0x1] =	stream.indirect_vreg.gather [hbm4b:s4+s6], $0x80, v8, vm1, $0xb8;
	[tilespmem:$0x1A500] =	vst v63  }
0x4f: {  	s22 =	simm.s32 $0x1D00  }
0x50: {  	[tilespmem:s22], [sflag:$0x1] =	stream.indirect_vreg.gather [hbm4b:s4+s6], $0x80, v7, vm1, $0xb8;
	[tilespmem:$0x1A500] =	vst v63  }
0x51: {  	v7 =	vld.msk [tilespmem:s9+$0x100], $0xff;
	_ =	sdelay $0x4  }
0x52: {  	v7 =	vshll.u32 v7, $0x10  }
0x53: {  	v7 =	vperm.xlane v7, v0;
	_ =	sdelay $0x5  }
0x54: {  	[tilespmem:s24], [sflag:$0x2] =	stream.indirect_vreg.gather [hbm4b:s3+s6], $0x1000, v7, vm0, $0x38;
	[tilespmem:$0x1A500] =	vst v63  }
0x55: {  	v7 =	vld.msk [tilespmem:s9+$0x100], $0xff;
	_ =	sdelay $0x4  }
0x56: {  	v7 =	vshll.u32 v7, $0x10  }
0x57: {  	v7 =	vperm.xlane v7, v0;
	_ =	sdelay $0x4  }
0x58: {  	s23 =	rddreg [dreg:$0x9];
	s19 =	simm.s32 $0x800  }
0x59: {  	[tilespmem:s25], [sflag:$0x3] =	stream.indirect_vreg.gather [hbm4b:s23+s6], $0x1000, v7, vm0, $0x38;
	[tilespmem:$0x1A500] =	vst v63  }
0x5a: {  	s21 =	simm.s32 $0x0;
	s22 =	simm.s32 $0x0;
	s23 =	simm.s32 $0x8  }
.LBB2_2:
0x5b: {  	s8 =	sand.u32 $0x380000, s21  }
0x5c: {  	s10 =	sand.u32 $0xF000, s22;
	s8 =	sadd.s32 s11, s8  }
0x5d: {  	_ =	swait.ge [sflag:s26], $0x8000;
	s8 =	sor.u32 s10, s8  }
0x5e: {  	[sflag:s26] =	ssyncset.done $0x0;
	s8 =	sshrl.u32 s8, $0x3  }
0x5f: {  	p0 =	seq.s32 s19, $0x800;
	[sflag:s26] =	ssyncadd.s32 $0xFFFF8000;
	s8 =	sadd.s32 s5, s8  }
0x60: {  	[hbm4b:s8+s28] =	stream.strided.scatter [tilespmem:s24], [sflag:$0x5], $0x8000, s29, s28, $0x38;
	[tilespmem:$0x1A500] =	vst v63  }
0x61: {  	s8 =	simm.s32 @!p0 $0x7  }
0x62: {  	s13 =	sadd.s32 $0xFFFFFFFC, s23;
	_ =	swait.ge @!p0 [sflag:s8], $0x8000  }
0x63: {  	s10 =	sand.u32 $0x1E0, s13;
	[sflag:s8] =	ssyncset.done @!p0 $0x0  }
0x64: {  	s13 =	sshrl.u32 s10, $0x2;
	[sflag:s8] =	ssyncadd.s32 @!p0 $0xFFFF8000  }
0x65: {  	v7 =	vld.idx.msk [tilespmem:v1+s13+$0x0 ss:$0x1], $0xff;
	_ =	sdelay $0x4  }
0x66: {  	v7 =	vshll.u32 v7, $0x10  }
0x67: {  	v7 =	vperm.xlane v7, v0;
	_ =	sdelay $0x2  }
0x68: {  	s10 =	sadd.s32 $0xFFFFFC00, s19  }
0x69: {  	s8 =	sand.u32 $0x1E00, s10  }
0x6a: {  	s13 =	sadd.s32 s3, s8  }
0x6b: {  	[tilespmem:s30], [sflag:$0x4] =	stream.indirect_vreg.gather [hbm4b:s13+s6], $0x1000, v7, vm0, $0x38;
	[tilespmem:$0x1A500] =	vst v63  }
0x6c: {  	s13 =	sadd.s32 $0x1000, s22  }
0x6d: {  	_ =	swait.ge [sflag:s31], $0x8000;
	s10 =	sand.u32 $0xF0000, s13;
	s13 =	sadd.s32 $0xFFFFFA00, s19  }
0x6e: {  	[sflag:s31] =	ssyncset.done $0x0;
	s13 =	sand.u32 $0x1E00, s13;
	s10 =	sadd.s32 s10, s12  }
0x6f: {  	[sflag:s31] =	ssyncadd.s32 $0xFFFF8000;
	s10 =	sadd.s32 s13, s10  }
0x70: {  	[hbm4b:s10+s28] =	stream.strided.scatter [tilespmem:s25], [sflag:$0x6], $0x8000, s29, s28, $0x38;
	[tilespmem:$0x1A500] =	vst v63  }
0x71: {  	s13 =	sadd.s32 $0xFFFFFFFE, s23;
	_ =	swait.ge [sflag:s0], $0x8000  }
0x72: {  	s10 =	sand.u32 $0x1E0, s13;
	[sflag:s0] =	ssyncset.done $0x0  }
0x73: {  	s10 =	sshrl.u32 s10, $0x2;
	[sflag:s0] =	ssyncadd.s32 $0xFFFF8000  }
0x74: {  	v7 =	vld.idx.msk [tilespmem:v1+s10+$0x0 ss:$0x1], $0xff;
	_ =	sdelay $0x4  }
0x75: {  	v7 =	vshll.u32 v7, $0x10  }
0x76: {  	v7 =	vperm.xlane v7, v0;
	_ =	sdelay $0x2  }
0x77: {  	s13 =	sadd.s32 $0xFFFFFE00, s19  }
0x78: {  	s10 =	sand.u32 $0x1E00, s13  }
0x79: {  	p0 =	seq.s32 s19, $0x8000;
	s10 =	sadd.s32 s3, s10  }
0x7a: {  	[tilespmem:s24], [sflag:$0x2] =	stream.indirect_vreg.gather [hbm4b:s10+s6], $0x1000, v7, vm0, $0x38;
	[tilespmem:$0x1A500] =	vst v63  }
.Ltmp2:
0x7b: {  	s13 =	sadd.s32 $0x2000, s22;
	(pc) =	sbr.rel @p0 .LBB2_4-.Ltmp2, $4  }
0x7c: {  	s10 =	sand.u32 $0xF0000, s13;
	_ =	swait.ge [sflag:s7], $0x8000  }
0x7d: {  	s10 =	sadd.s32 s10, s12;
	[sflag:s7] =	ssyncset.done $0x0  }
0x7e: {  	s8 =	sadd.s32 s8, s10;
	[sflag:s7] =	ssyncadd.s32 $0xFFFF8000  }
0x7f: {  	[hbm4b:s8+s28] =	stream.strided.scatter [tilespmem:s30], [sflag:$0x7], $0x8000, s29, s28, $0x38;
	[tilespmem:$0x1A500] =	vst v63  }
0x80: {  	_ = 	snop  }
0x81: {  	_ =	swait.ge [sflag:s2], $0x8000  }
0x82: {  	s8 =	sand.u32 $0x1E0, s23;
	[sflag:s2] =	ssyncset.done $0x0  }
0x83: {  	s8 =	sshrl.u32 s8, $0x2;
	[sflag:s2] =	ssyncadd.s32 $0xFFFF8000  }
0x84: {  	v7 =	vld.idx.msk [tilespmem:v1+s8+$0x0 ss:$0x1], $0xff;
	_ =	sdelay $0x4  }
0x85: {  	v7 =	vshll.u32 v7, $0x10  }
0x86: {  	v7 =	vperm.xlane v7, v0;
	_ =	sdelay $0x1  }
.Ltmp3:
0x87: {  	_ = 	snop;
	(pc) =	sbr.rel .LBB2_2-.Ltmp3, $4  }
0x88: {  	_ = 	snop  }
0x89: {  	s13 =	sand.u32 $0x1E00, s19;
	s19 =	sadd.s32 $0x600, s19;
	s23 =	sadd.s32 $0x6, s23  }
0x8a: {  	s22 =	sadd.s32 $0x3000, s22;
	s21 =	sadd.s32 $0x18000, s21;
	s8 =	sadd.s32 s3, s13  }
0x8b: {  	[tilespmem:s25], [sflag:$0x3] =	stream.indirect_vreg.gather [hbm4b:s8+s6], $0x1000, v7, vm0, $0x38;
	[tilespmem:$0x1A500] =	vst v63  }
.LBB2_5:
0x8c: {  	_ =	sfence.sel $0x180000  }
0x8d: {  	[bflag:$0x0] =	sbarrier.arrive $0xFFFF  }
0x8e: {  	_ =	strace $0x90000047  }
0x8f: {  	s0 =	stileid.u32;
	[bflag:$0x2] =	sbarrier.arrive $0xFFFF  }
0x90: {  	p0 =	sne.s32 s0, $0x0;
	s0 =	rddreg [dreg:$0x7]  }
0x91: {  	s0 =	sadd.s32 @!p0 $0x100000, s0  }
0x92: {  	[sflag:s0] =	ssyncadd.tile.s32 @!p0 $0x1;
	_ =	shalt  }
.Lfunc_end2:
_tile_overlayer_lowered:
.L_overlay_start_2:
0x93: {  	(tag) =	ssettag $0x2  }
0x94: {  	s0 =	rddreg [dreg:$0x0];
	s2 =	stileid.u32  }
0x95: {  	s1 =	rddreg [dreg:$0x1];
	p0 =	sne.s32 s2, $0x0  }
0x96: {  	s3 =	rddreg [dreg:$0x2];
	[bflag:$0x3] =	sbarrier.arrive $0xFFFF;
	s2 =	simm.s32 @!p0 $0x1C08  }
0x97: {  	[timem:s3], [sflag:s2] =	dma.local @!p0 [hbm:s0], s1  }
0x98: {  	s0 =	simm.s32 @!p0 $0x8  }
0x99: {  	_ =	swait.ge @!p0 [sflag:s0], s1  }
0x9a: {  	s1 =	ssub.s32 @!p0 $0x0, s1;
	[sflag:s0] =	ssyncset.done @!p0 $0x0  }
0x9b: {  	[sflag:s0] =	ssyncadd.s32 @!p0 s1  }
0x9c: {  	[bflag:$0x3] =	sbarrier.arrive $0xFFFF  }
0x9d: {  	_ =	shalt  }

</sc_bundles>
